<compile_context>
chip_gen: v7x
topology: tpu7x:2x2x1
jax: 0.10.2.dev20260603
libtpu: 0.0.44.dev20260713+nightly
codegen_flags: <defaults>
</compile_context>

<pallas_src>
import functools

import jax
import jax.numpy as jnp
from jax import lax
from jax.experimental import pallas as pl
from jax.experimental.pallas import tpu as pltpu
from jax.experimental.pallas import tpu_sc as plsc

B = 64
S = 512
E = 128
N = B * S
NC = 2
NS = 16
NW = NC * NS
PER_W = N // NW
CHUNK = 128
NCHUNK = PER_W // CHUNK
NBUF = 7
PRE_AHEAD = 5
GAT_AHEAD = 3

_mesh = plsc.VectorSubcoreMesh(core_axis_name="c", subcore_axis_name="s")


SEQ_PER_W = PER_W // S
CH_PER_SEQ = S // CHUNK


@functools.partial(
    pl.kernel,
    out_type=jax.ShapeDtypeStruct((B, S, E), jnp.float32),
    mesh=_mesh,
    scratch_types=[
        pltpu.VMEM((SEQ_PER_W, S), jnp.int32),
        pltpu.VMEM_SHARED((S, E), jnp.float32),
        [pltpu.VMEM((CHUNK, E), jnp.float32) for _ in range(NBUF)],
        [pltpu.SemaphoreType.DMA for _ in range(NBUF)],
        [pltpu.SemaphoreType.DMA for _ in range(NBUF)],
        [pltpu.SemaphoreType.DMA for _ in range(NBUF)],
    ],
)
def _emb_lookup(x_hbm, tok_hbm, pos_hbm, out_hbm,
                idx_v, pos_sh, bufs, psems, gsems, ssems):
    sid = lax.axis_index("s")
    wid = sid * NC + lax.axis_index("c")
    b0 = wid * SEQ_PER_W

    idx_cp = pltpu.async_copy(x_hbm.at[pl.ds(b0, SEQ_PER_W)], idx_v,
                              gsems[NBUF - 1])

    prows = S // NS
    pltpu.sync_copy(pos_hbm.at[pl.ds(sid * prows, prows)],
                    pos_sh.at[pl.ds(sid * prows, prows)])

    plsc.subcore_barrier()

    rot = lax.rem(wid, CH_PER_SEQ)

    def chunk_coords(k):
        seq = k // CH_PER_SEQ
        po = lax.rem(jnp.int32(k) + rot, CH_PER_SEQ) * CHUNK
        return seq, po

    def start_prefill(k):
        b = k % NBUF
        seq, po = chunk_coords(k)
        return pltpu.async_copy(pos_sh.at[pl.ds(po, CHUNK)], bufs[b], psems[b])

    def start_gather_add(k):
        b = k % NBUF
        seq, po = chunk_coords(k)
        idx_row = idx_v.at[seq, pl.ds(po, CHUNK)]
        return pltpu.async_copy(tok_hbm.at[idx_row], bufs[b], gsems[b],
                                add=True)

    pre_cp = [None] * NBUF
    gather_cp = [None] * NBUF
    store_cp = [None] * NBUF

    for c in range(PRE_AHEAD):
        pre_cp[c % NBUF] = start_prefill(c)
    idx_cp.wait()
    for c in range(GAT_AHEAD):
        pre_cp[c % NBUF].wait()
        gather_cp[c % NBUF] = start_gather_add(c)

    for c in range(NCHUNK):
        b = c % NBUF
        if c + PRE_AHEAD < NCHUNK:
            bn = (c + PRE_AHEAD) % NBUF
            if store_cp[bn] is not None:
                store_cp[bn].wait()
            pre_cp[bn] = start_prefill(c + PRE_AHEAD)
        if c + GAT_AHEAD < NCHUNK:
            bm = (c + GAT_AHEAD) % NBUF
            pre_cp[bm].wait()
            gather_cp[bm] = start_gather_add(c + GAT_AHEAD)
        gather_cp[b].wait()
        seq, po = chunk_coords(c)
        store_cp[b] = pltpu.async_copy(
            bufs[b], out_hbm.at[b0 + seq, pl.ds(po, CHUNK)], ssems[b])

    for b in range(min(NBUF, NCHUNK)):
        store_cp[b].wait()


def kernel(x, token_table, pos_table):
    return _emb_lookup(x.astype(jnp.int32), token_table, pos_table)

# --- scband reference (transcript-rebuilt; emitter-appended) ---
"""Pipeline reference for scband-bert-embedding-39685497815602 (READ-ONLY COPY).

The authoritative reference and input builder live on the scoring server;
editing this copy changes nothing except your own understanding.
"""

import jax, jax.numpy as jnp
import numpy as np

VOCAB = 100000
EMBED = 128
MAX_LEN = 512
BATCH = 64
SEQ = 512

def setup_inputs(seed: int = 0) -> dict:
    key = jax.random.key(seed)
    k1, k2, k3 = jax.random.split(key, 3)
    x = jax.random.randint(k1, (BATCH, SEQ), 0, VOCAB, dtype=jnp.int64 if jax.config.jax_enable_x64 else jnp.int32)
    token_table = jax.random.normal(k2, (VOCAB, EMBED), dtype=jnp.float32) * 0.02
    pos_table = jax.random.normal(k3, (MAX_LEN, EMBED), dtype=jnp.float32) * 0.02
    return {"x": x, "token_table": token_table, "pos_table": pos_table}

def reference(x, token_table, pos_table):
    # BertEmbedding forward (dropout is identity in eval mode)
    seq_len = x.shape[1]
    pos = jnp.arange(0, seq_len)[None, :]  # [1, seq_len]
    token_embeddings = jnp.take(token_table, x, axis=0)          # [B, S, E]
    position_embeddings = jnp.take(pos_table, pos, axis=0)        # [1, S, E]
    return token_embeddings + position_embeddings

if __name__ == "__main__":
    import jax
    _d = setup_inputs()
    print(jax.jit(kernel)(*tuple(_d.values())))

</pallas_src>

<mosaic_0001>
#map = affine_map<(d0, d1) -> (0, 0)>
#map1 = affine_map<(d0, d1) -> (0, 0, 0)>
module attributes {stable_mosaic.version = 14 : i64} {
  func.func @_emb_lookup(%arg0: i32, %arg1: i32, %arg2: memref<64x512xi32, #tpu.memory_space<hbm>>, %arg3: memref<100000x128xf32, #tpu.memory_space<hbm>>, %arg4: memref<512x128xf32, #tpu.memory_space<hbm>>, %arg5: memref<64x512x128xf32, #tpu.memory_space<hbm>>, %arg6: memref<2x512xi32, #tpu.memory_space<vmem>>, %arg7: memref<512x128xf32, #tpu.memory_space<vmem_shared>>, %arg8: memref<128x128xf32, #tpu.memory_space<vmem>>, %arg9: memref<128x128xf32, #tpu.memory_space<vmem>>, %arg10: memref<128x128xf32, #tpu.memory_space<vmem>>, %arg11: memref<128x128xf32, #tpu.memory_space<vmem>>, %arg12: memref<128x128xf32, #tpu.memory_space<vmem>>, %arg13: memref<128x128xf32, #tpu.memory_space<vmem>>, %arg14: memref<128x128xf32, #tpu.memory_space<vmem>>, %arg15: memref<!tpu.dma_semaphore, #tpu.memory_space<semaphore_mem>>, %arg16: memref<!tpu.dma_semaphore, #tpu.memory_space<semaphore_mem>>, %arg17: memref<!tpu.dma_semaphore, #tpu.memory_space<semaphore_mem>>, %arg18: memref<!tpu.dma_semaphore, #tpu.memory_space<semaphore_mem>>, %arg19: memref<!tpu.dma_semaphore, #tpu.memory_space<semaphore_mem>>, %arg20: memref<!tpu.dma_semaphore, #tpu.memory_space<semaphore_mem>>, %arg21: memref<!tpu.dma_semaphore, #tpu.memory_space<semaphore_mem>>, %arg22: memref<!tpu.dma_semaphore, #tpu.memory_space<semaphore_mem>>, %arg23: memref<!tpu.dma_semaphore, #tpu.memory_space<semaphore_mem>>, %arg24: memref<!tpu.dma_semaphore, #tpu.memory_space<semaphore_mem>>, %arg25: memref<!tpu.dma_semaphore, #tpu.memory_space<semaphore_mem>>, %arg26: memref<!tpu.dma_semaphore, #tpu.memory_space<semaphore_mem>>, %arg27: memref<!tpu.dma_semaphore, #tpu.memory_space<semaphore_mem>>, %arg28: memref<!tpu.dma_semaphore, #tpu.memory_space<semaphore_mem>>, %arg29: memref<!tpu.dma_semaphore, #tpu.memory_space<semaphore_mem>>, %arg30: memref<!tpu.dma_semaphore, #tpu.memory_space<semaphore_mem>>, %arg31: memref<!tpu.dma_semaphore, #tpu.memory_space<semaphore_mem>>, %arg32: memref<!tpu.dma_semaphore, #tpu.memory_space<semaphore_mem>>, %arg33: memref<!tpu.dma_semaphore, #tpu.memory_space<semaphore_mem>>, %arg34: memref<!tpu.dma_semaphore, #tpu.memory_space<semaphore_mem>>, %arg35: memref<!tpu.dma_semaphore, #tpu.memory_space<semaphore_mem>>) attributes {dimension_semantics = [#tpu.dimension_semantics<core_parallel>, #tpu.dimension_semantics<subcore_parallel>], iteration_bounds = array<i64: 2, 16>, scalar_prefetch = 0 : i64, scratch_operands = 30 : i64, tpu.core_type = #tpu.core_type<sc_vector_subcore>, window_params = [{transform_indices = #map}, {transform_indices = #map}, {transform_indices = #map}, {transform_indices = #map1}]} {
    %mul3A = arith.constant 2 : i32
    %mul3A_0 = arith.muli %arg1, %mul3A : i32
    %add3A = arith.addi %mul3A_0, %arg0 : i32
    %mul3A_1 = arith.constant 2 : i32
    %mul3A_2 = arith.muli %add3A, %mul3A_1 : i32
    %dma_start3A = arith.constant 0 : i32
    %dma_start3A_3 = tpu.memref_slice %arg2[%mul3A_2, %dma_start3A] : memref<64x512xi32, #tpu.memory_space<hbm>> -> memref<2x512xi32, #tpu.memory_space<hbm>>
    %dma_start3A_4 = arith.constant 0 : i32
    %dma_start3A_5 = tpu.memref_slice %arg2[%mul3A_2, %dma_start3A_4] : memref<64x512xi32, #tpu.memory_space<hbm>> -> memref<2x512xi32, #tpu.memory_space<hbm>>
    tpu.enqueue_dma source(%dma_start3A_5 : memref<2x512xi32, #tpu.memory_space<hbm>>) target(%arg6 : memref<2x512xi32, #tpu.memory_space<vmem>>) target_semaphore(%arg28 : memref<!tpu.dma_semaphore, #tpu.memory_space<semaphore_mem>>)
    %mul3A_6 = arith.constant 32 : i32
    %mul3A_7 = arith.muli %arg1, %mul3A_6 : i32
    %mul3A_8 = arith.constant 32 : i32
    %mul3A_9 = arith.muli %arg1, %mul3A_8 : i32
    "tpu.region"() ({
      %run_scoped3A = tpu.sem_alloc : memref<!tpu.dma_semaphore, #tpu.memory_space<semaphore_mem>>
      %dma_start3A_430 = arith.constant 0 : i32
      %dma_start3A_431 = tpu.memref_slice %arg7[%mul3A_9, %dma_start3A_430] : memref<512x128xf32, #tpu.memory_space<vmem_shared>> -> memref<32x128xf32, #tpu.memory_space<vmem_shared>>
      %dma_start3A_432 = arith.constant 0 : i32
      %dma_start3A_433 = tpu.memref_slice %arg4[%mul3A_7, %dma_start3A_432] : memref<512x128xf32, #tpu.memory_space<hbm>> -> memref<32x128xf32, #tpu.memory_space<hbm>>
      tpu.enqueue_dma source(%dma_start3A_433 : memref<32x128xf32, #tpu.memory_space<hbm>>) target(%dma_start3A_431 : memref<32x128xf32, #tpu.memory_space<vmem_shared>>) target_semaphore(%run_scoped3A : memref<!tpu.dma_semaphore, #tpu.memory_space<semaphore_mem>>)
      %dma_wait3A_434 = arith.constant 0 : i32
      %dma_wait3A_435 = tpu.memref_slice %arg7[%mul3A_9, %dma_wait3A_434] : memref<512x128xf32, #tpu.memory_space<vmem_shared>> -> memref<32x128xf32, #tpu.memory_space<vmem_shared>>
      %dma_wait3A_436 = arith.constant 0 : i32
      %dma_wait3A_437 = tpu.memref_slice %arg4[%mul3A_7, %dma_wait3A_436] : memref<512x128xf32, #tpu.memory_space<hbm>> -> memref<32x128xf32, #tpu.memory_space<hbm>>
      tpu.wait_dma2 semaphore(%run_scoped3A : memref<!tpu.dma_semaphore, #tpu.memory_space<semaphore_mem>>) src(%dma_wait3A_437 : memref<32x128xf32, #tpu.memory_space<hbm>>) dst(%dma_wait3A_435 : memref<32x128xf32, #tpu.memory_space<vmem_shared>>)
      tpu.yield
    }) : () -> ()
    %barrier3A = arith.constant 0 : index
    tpu.barrier barrier_id(%barrier3A)
    %rem3A = arith.constant 4 : i32
    %rem3A_10 = arith.remsi %add3A, %rem3A : i32
    %add3A_11 = arith.constant 0 : i32
    %add3A_12 = arith.addi %add3A_11, %rem3A_10 : i32
    %rem3A_13 = arith.constant 4 : i32
    %rem3A_14 = arith.remsi %add3A_12, %rem3A_13 : i32
    %mul3A_15 = arith.constant 128 : i32
    %mul3A_16 = arith.muli %rem3A_14, %mul3A_15 : i32
    %dma_start3A_17 = arith.constant 0 : i32
    %dma_start3A_18 = tpu.memref_slice %arg7[%mul3A_16, %dma_start3A_17] : memref<512x128xf32, #tpu.memory_space<vmem_shared>> -> memref<128x128xf32, #tpu.memory_space<vmem_shared>>
    %dma_start3A_19 = arith.constant 0 : i32
    %dma_start3A_20 = tpu.memref_slice %arg7[%mul3A_16, %dma_start3A_19] : memref<512x128xf32, #tpu.memory_space<vmem_shared>> -> memref<128x128xf32, #tpu.memory_space<vmem_shared>>
    tpu.enqueue_dma source(%dma_start3A_20 : memref<128x128xf32, #tpu.memory_space<vmem_shared>>) target(%arg8 : memref<128x128xf32, #tpu.memory_space<vmem>>) target_semaphore(%arg15 : memref<!tpu.dma_semaphore, #tpu.memory_space<semaphore_mem>>)
    %add3A_21 = arith.constant 1 : i32
    %add3A_22 = arith.addi %add3A_21, %rem3A_10 : i32
    %rem3A_23 = arith.constant 4 : i32
    %rem3A_24 = arith.remsi %add3A_22, %rem3A_23 : i32
    %mul3A_25 = arith.constant 128 : i32
    %mul3A_26 = arith.muli %rem3A_24, %mul3A_25 : i32
    %dma_start3A_27 = arith.constant 0 : i32
    %dma_start3A_28 = tpu.memref_slice %arg7[%mul3A_26, %dma_start3A_27] : memref<512x128xf32, #tpu.memory_space<vmem_shared>> -> memref<128x128xf32, #tpu.memory_space<vmem_shared>>
    %dma_start3A_29 = arith.constant 0 : i32
    %dma_start3A_30 = tpu.memref_slice %arg7[%mul3A_26, %dma_start3A_29] : memref<512x128xf32, #tpu.memory_space<vmem_shared>> -> memref<128x128xf32, #tpu.memory_space<vmem_shared>>
    tpu.enqueue_dma source(%dma_start3A_30 : memref<128x128xf32, #tpu.memory_space<vmem_shared>>) target(%arg9 : memref<128x128xf32, #tpu.memory_space<vmem>>) target_semaphore(%arg16 : memref<!tpu.dma_semaphore, #tpu.memory_space<semaphore_mem>>)
    %add3A_31 = arith.constant 2 : i32
    %add3A_32 = arith.addi %add3A_31, %rem3A_10 : i32
    %rem3A_33 = arith.constant 4 : i32
    %rem3A_34 = arith.remsi %add3A_32, %rem3A_33 : i32
    %mul3A_35 = arith.constant 128 : i32
    %mul3A_36 = arith.muli %rem3A_34, %mul3A_35 : i32
    %dma_start3A_37 = arith.constant 0 : i32
    %dma_start3A_38 = tpu.memref_slice %arg7[%mul3A_36, %dma_start3A_37] : memref<512x128xf32, #tpu.memory_space<vmem_shared>> -> memref<128x128xf32, #tpu.memory_space<vmem_shared>>
    %dma_start3A_39 = arith.constant 0 : i32
    %dma_start3A_40 = tpu.memref_slice %arg7[%mul3A_36, %dma_start3A_39] : memref<512x128xf32, #tpu.memory_space<vmem_shared>> -> memref<128x128xf32, #tpu.memory_space<vmem_shared>>
    tpu.enqueue_dma source(%dma_start3A_40 : memref<128x128xf32, #tpu.memory_space<vmem_shared>>) target(%arg10 : memref<128x128xf32, #tpu.memory_space<vmem>>) target_semaphore(%arg17 : memref<!tpu.dma_semaphore, #tpu.memory_space<semaphore_mem>>)
    %add3A_41 = arith.constant 3 : i32
    %add3A_42 = arith.addi %add3A_41, %rem3A_10 : i32
    %rem3A_43 = arith.constant 4 : i32
    %rem3A_44 = arith.remsi %add3A_42, %rem3A_43 : i32
    %mul3A_45 = arith.constant 128 : i32
    %mul3A_46 = arith.muli %rem3A_44, %mul3A_45 : i32
    %dma_start3A_47 = arith.constant 0 : i32
    %dma_start3A_48 = tpu.memref_slice %arg7[%mul3A_46, %dma_start3A_47] : memref<512x128xf32, #tpu.memory_space<vmem_shared>> -> memref<128x128xf32, #tpu.memory_space<vmem_shared>>
    %dma_start3A_49 = arith.constant 0 : i32
    %dma_start3A_50 = tpu.memref_slice %arg7[%mul3A_46, %dma_start3A_49] : memref<512x128xf32, #tpu.memory_space<vmem_shared>> -> memref<128x128xf32, #tpu.memory_space<vmem_shared>>
    tpu.enqueue_dma source(%dma_start3A_50 : memref<128x128xf32, #tpu.memory_space<vmem_shared>>) target(%arg11 : memref<128x128xf32, #tpu.memory_space<vmem>>) target_semaphore(%arg18 : memref<!tpu.dma_semaphore, #tpu.memory_space<semaphore_mem>>)
    %add3A_51 = arith.constant 4 : i32
    %add3A_52 = arith.addi %add3A_51, %rem3A_10 : i32
    %rem3A_53 = arith.constant 4 : i32
    %rem3A_54 = arith.remsi %add3A_52, %rem3A_53 : i32
    %mul3A_55 = arith.constant 128 : i32
    %mul3A_56 = arith.muli %rem3A_54, %mul3A_55 : i32
    %dma_start3A_57 = arith.constant 0 : i32
    %dma_start3A_58 = tpu.memref_slice %arg7[%mul3A_56, %dma_start3A_57] : memref<512x128xf32, #tpu.memory_space<vmem_shared>> -> memref<128x128xf32, #tpu.memory_space<vmem_shared>>
    %dma_start3A_59 = arith.constant 0 : i32
    %dma_start3A_60 = tpu.memref_slice %arg7[%mul3A_56, %dma_start3A_59] : memref<512x128xf32, #tpu.memory_space<vmem_shared>> -> memref<128x128xf32, #tpu.memory_space<vmem_shared>>
    tpu.enqueue_dma source(%dma_start3A_60 : memref<128x128xf32, #tpu.memory_space<vmem_shared>>) target(%arg12 : memref<128x128xf32, #tpu.memory_space<vmem>>) target_semaphore(%arg19 : memref<!tpu.dma_semaphore, #tpu.memory_space<semaphore_mem>>)
    %dma_wait3A = arith.constant 0 : i32
    %dma_wait3A_61 = tpu.memref_slice %arg2[%mul3A_2, %dma_wait3A] : memref<64x512xi32, #tpu.memory_space<hbm>> -> memref<2x512xi32, #tpu.memory_space<hbm>>
    %dma_wait3A_62 = arith.constant 0 : i32
    %dma_wait3A_63 = tpu.memref_slice %arg2[%mul3A_2, %dma_wait3A_62] : memref<64x512xi32, #tpu.memory_space<hbm>> -> memref<2x512xi32, #tpu.memory_space<hbm>>
    tpu.wait_dma2 semaphore(%arg28 : memref<!tpu.dma_semaphore, #tpu.memory_space<semaphore_mem>>) src(%dma_wait3A_63 : memref<2x512xi32, #tpu.memory_space<hbm>>) dst(%arg6 : memref<2x512xi32, #tpu.memory_space<vmem>>)
    %dma_wait3A_64 = arith.constant 0 : i32
    %dma_wait3A_65 = tpu.memref_slice %arg7[%mul3A_16, %dma_wait3A_64] : memref<512x128xf32, #tpu.memory_space<vmem_shared>> -> memref<128x128xf32, #tpu.memory_space<vmem_shared>>
    %dma_wait3A_66 = arith.constant 0 : i32
    %dma_wait3A_67 = tpu.memref_slice %arg7[%mul3A_16, %dma_wait3A_66] : memref<512x128xf32, #tpu.memory_space<vmem_shared>> -> memref<128x128xf32, #tpu.memory_space<vmem_shared>>
    tpu.wait_dma2 semaphore(%arg15 : memref<!tpu.dma_semaphore, #tpu.memory_space<semaphore_mem>>) src(%dma_wait3A_67 : memref<128x128xf32, #tpu.memory_space<vmem_shared>>) dst(%arg8 : memref<128x128xf32, #tpu.memory_space<vmem>>)
    %add3A_68 = arith.constant 0 : i32
    %add3A_69 = arith.addi %add3A_68, %rem3A_10 : i32
    %rem3A_70 = arith.constant 4 : i32
    %rem3A_71 = arith.remsi %add3A_69, %rem3A_70 : i32
    %mul3A_72 = arith.constant 128 : i32
    %mul3A_73 = arith.muli %rem3A_71, %mul3A_72 : i32
    %dma_start3A_74 = arith.constant 0 : i32
    %dma_start3A_75 = tpu.memref_slice %arg6[%dma_start3A_74, %mul3A_73] : memref<2x512xi32, #tpu.memory_space<vmem>> -> memref<1x128xi32, #tpu.memory_space<vmem>>
    %dma_start3A_76 = tpu.memref_squeeze %dma_start3A_75 : memref<1x128xi32, #tpu.memory_space<vmem>> -> memref<128xi32, #tpu.memory_space<vmem>>
    %dma_start3A_77 = arith.constant 0 : i32
    %dma_start3A_78 = arith.constant 0 : i32
    %dma_start3A_79 = tpu.memref_slice %arg3[%dma_start3A_77, %dma_start3A_78] : memref<100000x128xf32, #tpu.memory_space<hbm>> -> memref<100000x128xf32, #tpu.memory_space<hbm>>
    tpu.enqueue_indirect_dma source(%dma_start3A_79 : memref<100000x128xf32, #tpu.memory_space<hbm>>) target(%arg8 : memref<128x128xf32, #tpu.memory_space<vmem>>) offsets(%dma_start3A_76 : memref<128xi32, #tpu.memory_space<vmem>>) semaphore(%arg22 : memref<!tpu.dma_semaphore, #tpu.memory_space<semaphore_mem>>) {add = true}
    %dma_wait3A_80 = arith.constant 0 : i32
    %dma_wait3A_81 = tpu.memref_slice %arg7[%mul3A_26, %dma_wait3A_80] : memref<512x128xf32, #tpu.memory_space<vmem_shared>> -> memref<128x128xf32, #tpu.memory_space<vmem_shared>>
    %dma_wait3A_82 = arith.constant 0 : i32
    %dma_wait3A_83 = tpu.memref_slice %arg7[%mul3A_26, %dma_wait3A_82] : memref<512x128xf32, #tpu.memory_space<vmem_shared>> -> memref<128x128xf32, #tpu.memory_space<vmem_shared>>
    tpu.wait_dma2 semaphore(%arg16 : memref<!tpu.dma_semaphore, #tpu.memory_space<semaphore_mem>>) src(%dma_wait3A_83 : memref<128x128xf32, #tpu.memory_space<vmem_shared>>) dst(%arg9 : memref<128x128xf32, #tpu.memory_space<vmem>>)
    %add3A_84 = arith.constant 1 : i32
    %add3A_85 = arith.addi %add3A_84, %rem3A_10 : i32
    %rem3A_86 = arith.constant 4 : i32
    %rem3A_87 = arith.remsi %add3A_85, %rem3A_86 : i32
    %mul3A_88 = arith.constant 128 : i32
    %mul3A_89 = arith.muli %rem3A_87, %mul3A_88 : i32
    %dma_start3A_90 = arith.constant 0 : i32
    %dma_start3A_91 = tpu.memref_slice %arg6[%dma_start3A_90, %mul3A_89] : memref<2x512xi32, #tpu.memory_space<vmem>> -> memref<1x128xi32, #tpu.memory_space<vmem>>
    %dma_start3A_92 = tpu.memref_squeeze %dma_start3A_91 : memref<1x128xi32, #tpu.memory_space<vmem>> -> memref<128xi32, #tpu.memory_space<vmem>>
    %dma_start3A_93 = arith.constant 0 : i32
    %dma_start3A_94 = arith.constant 0 : i32
    %dma_start3A_95 = tpu.memref_slice %arg3[%dma_start3A_93, %dma_start3A_94] : memref<100000x128xf32, #tpu.memory_space<hbm>> -> memref<100000x128xf32, #tpu.memory_space<hbm>>
    tpu.enqueue_indirect_dma source(%dma_start3A_95 : memref<100000x128xf32, #tpu.memory_space<hbm>>) target(%arg9 : memref<128x128xf32, #tpu.memory_space<vmem>>) offsets(%dma_start3A_92 : memref<128xi32, #tpu.memory_space<vmem>>) semaphore(%arg23 : memref<!tpu.dma_semaphore, #tpu.memory_space<semaphore_mem>>) {add = true}
    %dma_wait3A_96 = arith.constant 0 : i32
    %dma_wait3A_97 = tpu.memref_slice %arg7[%mul3A_36, %dma_wait3A_96] : memref<512x128xf32, #tpu.memory_space<vmem_shared>> -> memref<128x128xf32, #tpu.memory_space<vmem_shared>>
    %dma_wait3A_98 = arith.constant 0 : i32
    %dma_wait3A_99 = tpu.memref_slice %arg7[%mul3A_36, %dma_wait3A_98] : memref<512x128xf32, #tpu.memory_space<vmem_shared>> -> memref<128x128xf32, #tpu.memory_space<vmem_shared>>
    tpu.wait_dma2 semaphore(%arg17 : memref<!tpu.dma_semaphore, #tpu.memory_space<semaphore_mem>>) src(%dma_wait3A_99 : memref<128x128xf32, #tpu.memory_space<vmem_shared>>) dst(%arg10 : memref<128x128xf32, #tpu.memory_space<vmem>>)
    %add3A_100 = arith.constant 2 : i32
    %add3A_101 = arith.addi %add3A_100, %rem3A_10 : i32
    %rem3A_102 = arith.constant 4 : i32
    %rem3A_103 = arith.remsi %add3A_101, %rem3A_102 : i32
    %mul3A_104 = arith.constant 128 : i32
    %mul3A_105 = arith.muli %rem3A_103, %mul3A_104 : i32
    %dma_start3A_106 = arith.constant 0 : i32
    %dma_start3A_107 = tpu.memref_slice %arg6[%dma_start3A_106, %mul3A_105] : memref<2x512xi32, #tpu.memory_space<vmem>> -> memref<1x128xi32, #tpu.memory_space<vmem>>
    %dma_start3A_108 = tpu.memref_squeeze %dma_start3A_107 : memref<1x128xi32, #tpu.memory_space<vmem>> -> memref<128xi32, #tpu.memory_space<vmem>>
    %dma_start3A_109 = arith.constant 0 : i32
    %dma_start3A_110 = arith.constant 0 : i32
    %dma_start3A_111 = tpu.memref_slice %arg3[%dma_start3A_109, %dma_start3A_110] : memref<100000x128xf32, #tpu.memory_space<hbm>> -> memref<100000x128xf32, #tpu.memory_space<hbm>>
    tpu.enqueue_indirect_dma source(%dma_start3A_111 : memref<100000x128xf32, #tpu.memory_space<hbm>>) target(%arg10 : memref<128x128xf32, #tpu.memory_space<vmem>>) offsets(%dma_start3A_108 : memref<128xi32, #tpu.memory_space<vmem>>) semaphore(%arg24 : memref<!tpu.dma_semaphore, #tpu.memory_space<semaphore_mem>>) {add = true}
    %add3A_112 = arith.constant 5 : i32
    %add3A_113 = arith.addi %add3A_112, %rem3A_10 : i32
    %rem3A_114 = arith.constant 4 : i32
    %rem3A_115 = arith.remsi %add3A_113, %rem3A_114 : i32
    %mul3A_116 = arith.constant 128 : i32
    %mul3A_117 = arith.muli %rem3A_115, %mul3A_116 : i32
    %dma_start3A_118 = arith.constant 0 : i32
    %dma_start3A_119 = tpu.memref_slice %arg7[%mul3A_117, %dma_start3A_118] : memref<512x128xf32, #tpu.memory_space<vmem_shared>> -> memref<128x128xf32, #tpu.memory_space<vmem_shared>>
    %dma_start3A_120 = arith.constant 0 : i32
    %dma_start3A_121 = tpu.memref_slice %arg7[%mul3A_117, %dma_start3A_120] : memref<512x128xf32, #tpu.memory_space<vmem_shared>> -> memref<128x128xf32, #tpu.memory_space<vmem_shared>>
    tpu.enqueue_dma source(%dma_start3A_121 : memref<128x128xf32, #tpu.memory_space<vmem_shared>>) target(%arg13 : memref<128x128xf32, #tpu.memory_space<vmem>>) target_semaphore(%arg20 : memref<!tpu.dma_semaphore, #tpu.memory_space<semaphore_mem>>)
    %dma_wait3A_122 = arith.constant 0 : i32
    %dma_wait3A_123 = tpu.memref_slice %arg7[%mul3A_46, %dma_wait3A_122] : memref<512x128xf32, #tpu.memory_space<vmem_shared>> -> memref<128x128xf32, #tpu.memory_space<vmem_shared>>
    %dma_wait3A_124 = arith.constant 0 : i32
    %dma_wait3A_125 = tpu.memref_slice %arg7[%mul3A_46, %dma_wait3A_124] : memref<512x128xf32, #tpu.memory_space<vmem_shared>> -> memref<128x128xf32, #tpu.memory_space<vmem_shared>>
    tpu.wait_dma2 semaphore(%arg18 : memref<!tpu.dma_semaphore, #tpu.memory_space<semaphore_mem>>) src(%dma_wait3A_125 : memref<128x128xf32, #tpu.memory_space<vmem_shared>>) dst(%arg11 : memref<128x128xf32, #tpu.memory_space<vmem>>)
    %add3A_126 = arith.constant 3 : i32
    %add3A_127 = arith.addi %add3A_126, %rem3A_10 : i32
    %rem3A_128 = arith.constant 4 : i32
    %rem3A_129 = arith.remsi %add3A_127, %rem3A_128 : i32
    %mul3A_130 = arith.constant 128 : i32
    %mul3A_131 = arith.muli %rem3A_129, %mul3A_130 : i32
    %dma_start3A_132 = arith.constant 0 : i32
    %dma_start3A_133 = tpu.memref_slice %arg6[%dma_start3A_132, %mul3A_131] : memref<2x512xi32, #tpu.memory_space<vmem>> -> memref<1x128xi32, #tpu.memory_space<vmem>>
    %dma_start3A_134 = tpu.memref_squeeze %dma_start3A_133 : memref<1x128xi32, #tpu.memory_space<vmem>> -> memref<128xi32, #tpu.memory_space<vmem>>
    %dma_start3A_135 = arith.constant 0 : i32
    %dma_start3A_136 = arith.constant 0 : i32
    %dma_start3A_137 = tpu.memref_slice %arg3[%dma_start3A_135, %dma_start3A_136] : memref<100000x128xf32, #tpu.memory_space<hbm>> -> memref<100000x128xf32, #tpu.memory_space<hbm>>
    tpu.enqueue_indirect_dma source(%dma_start3A_137 : memref<100000x128xf32, #tpu.memory_space<hbm>>) target(%arg11 : memref<128x128xf32, #tpu.memory_space<vmem>>) offsets(%dma_start3A_134 : memref<128xi32, #tpu.memory_space<vmem>>) semaphore(%arg25 : memref<!tpu.dma_semaphore, #tpu.memory_space<semaphore_mem>>) {add = true}
    %dma_wait3A_138 = arith.constant 0 : i32
    %dma_wait3A_139 = tpu.memref_slice %arg6[%dma_wait3A_138, %mul3A_73] : memref<2x512xi32, #tpu.memory_space<vmem>> -> memref<1x128xi32, #tpu.memory_space<vmem>>
    %dma_wait3A_140 = tpu.memref_squeeze %dma_wait3A_139 : memref<1x128xi32, #tpu.memory_space<vmem>> -> memref<128xi32, #tpu.memory_space<vmem>>
    %dma_wait3A_141 = arith.constant 0 : i32
    %dma_wait3A_142 = arith.constant 0 : i32
    %dma_wait3A_143 = tpu.memref_slice %arg3[%dma_wait3A_141, %dma_wait3A_142] : memref<100000x128xf32, #tpu.memory_space<hbm>> -> memref<100000x128xf32, #tpu.memory_space<hbm>>
    tpu.wait_indirect_dma semaphore(%arg22 : memref<!tpu.dma_semaphore, #tpu.memory_space<semaphore_mem>>) src(%dma_wait3A_143 : memref<100000x128xf32, #tpu.memory_space<hbm>>) dst(%arg8 : memref<128x128xf32, #tpu.memory_space<vmem>>)
    %add3A_144 = arith.constant 0 : i32
    %add3A_145 = arith.addi %add3A_144, %rem3A_10 : i32
    %rem3A_146 = arith.constant 4 : i32
    %rem3A_147 = arith.remsi %add3A_145, %rem3A_146 : i32
    %mul3A_148 = arith.constant 128 : i32
    %mul3A_149 = arith.muli %rem3A_147, %mul3A_148 : i32
    %add3A_150 = arith.constant 0 : i32
    %add3A_151 = arith.addi %mul3A_2, %add3A_150 : i32
    %dma_start3A_152 = arith.constant 0 : i32
    %dma_start3A_153 = tpu.memref_slice %arg5[%add3A_151, %mul3A_149, %dma_start3A_152] : memref<64x512x128xf32, #tpu.memory_space<hbm>> -> memref<1x128x128xf32, #tpu.memory_space<hbm>>
    %dma_start3A_154 = tpu.memref_squeeze %dma_start3A_153 : memref<1x128x128xf32, #tpu.memory_space<hbm>> -> memref<128x128xf32, #tpu.memory_space<hbm>>
    %dma_start3A_155 = arith.constant 0 : i32
    %dma_start3A_156 = tpu.memref_slice %arg5[%add3A_151, %mul3A_149, %dma_start3A_155] : memref<64x512x128xf32, #tpu.memory_space<hbm>> -> memref<1x128x128xf32, #tpu.memory_space<hbm>>
    %dma_start3A_157 = tpu.memref_squeeze %dma_start3A_156 : memref<1x128x128xf32, #tpu.memory_space<hbm>> -> memref<128x128xf32, #tpu.memory_space<hbm>>
    tpu.enqueue_dma source(%arg8 : memref<128x128xf32, #tpu.memory_space<vmem>>) target(%dma_start3A_157 : memref<128x128xf32, #tpu.memory_space<hbm>>) target_semaphore(%arg29 : memref<!tpu.dma_semaphore, #tpu.memory_space<semaphore_mem>>)
    %add3A_158 = arith.constant 6 : i32
    %add3A_159 = arith.addi %add3A_158, %rem3A_10 : i32
    %rem3A_160 = arith.constant 4 : i32
    %rem3A_161 = arith.remsi %add3A_159, %rem3A_160 : i32
    %mul3A_162 = arith.constant 128 : i32
    %mul3A_163 = arith.muli %rem3A_161, %mul3A_162 : i32
    %dma_start3A_164 = arith.constant 0 : i32
    %dma_start3A_165 = tpu.memref_slice %arg7[%mul3A_163, %dma_start3A_164] : memref<512x128xf32, #tpu.memory_space<vmem_shared>> -> memref<128x128xf32, #tpu.memory_space<vmem_shared>>
    %dma_start3A_166 = arith.constant 0 : i32
    %dma_start3A_167 = tpu.memref_slice %arg7[%mul3A_163, %dma_start3A_166] : memref<512x128xf32, #tpu.memory_space<vmem_shared>> -> memref<128x128xf32, #tpu.memory_space<vmem_shared>>
    tpu.enqueue_dma source(%dma_start3A_167 : memref<128x128xf32, #tpu.memory_space<vmem_shared>>) target(%arg14 : memref<128x128xf32, #tpu.memory_space<vmem>>) target_semaphore(%arg21 : memref<!tpu.dma_semaphore, #tpu.memory_space<semaphore_mem>>)
    %dma_wait3A_168 = arith.constant 0 : i32
    %dma_wait3A_169 = tpu.memref_slice %arg7[%mul3A_56, %dma_wait3A_168] : memref<512x128xf32, #tpu.memory_space<vmem_shared>> -> memref<128x128xf32, #tpu.memory_space<vmem_shared>>
    %dma_wait3A_170 = arith.constant 0 : i32
    %dma_wait3A_171 = tpu.memref_slice %arg7[%mul3A_56, %dma_wait3A_170] : memref<512x128xf32, #tpu.memory_space<vmem_shared>> -> memref<128x128xf32, #tpu.memory_space<vmem_shared>>
    tpu.wait_dma2 semaphore(%arg19 : memref<!tpu.dma_semaphore, #tpu.memory_space<semaphore_mem>>) src(%dma_wait3A_171 : memref<128x128xf32, #tpu.memory_space<vmem_shared>>) dst(%arg12 : memref<128x128xf32, #tpu.memory_space<vmem>>)
    %add3A_172 = arith.constant 4 : i32
    %add3A_173 = arith.addi %add3A_172, %rem3A_10 : i32
    %rem3A_174 = arith.constant 4 : i32
    %rem3A_175 = arith.remsi %add3A_173, %rem3A_174 : i32
    %mul3A_176 = arith.constant 128 : i32
    %mul3A_177 = arith.muli %rem3A_175, %mul3A_176 : i32
    %dma_start3A_178 = arith.constant 1 : i32
    %dma_start3A_179 = tpu.memref_slice %arg6[%dma_start3A_178, %mul3A_177] : memref<2x512xi32, #tpu.memory_space<vmem>> -> memref<1x128xi32, #tpu.memory_space<vmem>>
    %dma_start3A_180 = tpu.memref_squeeze %dma_start3A_179 : memref<1x128xi32, #tpu.memory_space<vmem>> -> memref<128xi32, #tpu.memory_space<vmem>>
    %dma_start3A_181 = arith.constant 0 : i32
    %dma_start3A_182 = arith.constant 0 : i32
    %dma_start3A_183 = tpu.memref_slice %arg3[%dma_start3A_181, %dma_start3A_182] : memref<100000x128xf32, #tpu.memory_space<hbm>> -> memref<100000x128xf32, #tpu.memory_space<hbm>>
    tpu.enqueue_indirect_dma source(%dma_start3A_183 : memref<100000x128xf32, #tpu.memory_space<hbm>>) target(%arg12 : memref<128x128xf32, #tpu.memory_space<vmem>>) offsets(%dma_start3A_180 : memref<128xi32, #tpu.memory_space<vmem>>) semaphore(%arg26 : memref<!tpu.dma_semaphore, #tpu.memory_space<semaphore_mem>>) {add = true}
    %dma_wait3A_184 = arith.constant 0 : i32
    %dma_wait3A_185 = tpu.memref_slice %arg6[%dma_wait3A_184, %mul3A_89] : memref<2x512xi32, #tpu.memory_space<vmem>> -> memref<1x128xi32, #tpu.memory_space<vmem>>
    %dma_wait3A_186 = tpu.memref_squeeze %dma_wait3A_185 : memref<1x128xi32, #tpu.memory_space<vmem>> -> memref<128xi32, #tpu.memory_space<vmem>>
    %dma_wait3A_187 = arith.constant 0 : i32
    %dma_wait3A_188 = arith.constant 0 : i32
    %dma_wait3A_189 = tpu.memref_slice %arg3[%dma_wait3A_187, %dma_wait3A_188] : memref<100000x128xf32, #tpu.memory_space<hbm>> -> memref<100000x128xf32, #tpu.memory_space<hbm>>
    tpu.wait_indirect_dma semaphore(%arg23 : memref<!tpu.dma_semaphore, #tpu.memory_space<semaphore_mem>>) src(%dma_wait3A_189 : memref<100000x128xf32, #tpu.memory_space<hbm>>) dst(%arg9 : memref<128x128xf32, #tpu.memory_space<vmem>>)
    %add3A_190 = arith.constant 1 : i32
    %add3A_191 = arith.addi %add3A_190, %rem3A_10 : i32
    %rem3A_192 = arith.constant 4 : i32
    %rem3A_193 = arith.remsi %add3A_191, %rem3A_192 : i32
    %mul3A_194 = arith.constant 128 : i32
    %mul3A_195 = arith.muli %rem3A_193, %mul3A_194 : i32
    %add3A_196 = arith.constant 0 : i32
    %add3A_197 = arith.addi %mul3A_2, %add3A_196 : i32
    %dma_start3A_198 = arith.constant 0 : i32
    %dma_start3A_199 = tpu.memref_slice %arg5[%add3A_197, %mul3A_195, %dma_start3A_198] : memref<64x512x128xf32, #tpu.memory_space<hbm>> -> memref<1x128x128xf32, #tpu.memory_space<hbm>>
    %dma_start3A_200 = tpu.memref_squeeze %dma_start3A_199 : memref<1x128x128xf32, #tpu.memory_space<hbm>> -> memref<128x128xf32, #tpu.memory_space<hbm>>
    %dma_start3A_201 = arith.constant 0 : i32
    %dma_start3A_202 = tpu.memref_slice %arg5[%add3A_197, %mul3A_195, %dma_start3A_201] : memref<64x512x128xf32, #tpu.memory_space<hbm>> -> memref<1x128x128xf32, #tpu.memory_space<hbm>>
    %dma_start3A_203 = tpu.memref_squeeze %dma_start3A_202 : memref<1x128x128xf32, #tpu.memory_space<hbm>> -> memref<128x128xf32, #tpu.memory_space<hbm>>
    tpu.enqueue_dma source(%arg9 : memref<128x128xf32, #tpu.memory_space<vmem>>) target(%dma_start3A_203 : memref<128x128xf32, #tpu.memory_space<hbm>>) target_semaphore(%arg30 : memref<!tpu.dma_semaphore, #tpu.memory_space<semaphore_mem>>)
    %dma_wait3A_204 = arith.constant 0 : i32
    %dma_wait3A_205 = tpu.memref_slice %arg5[%add3A_151, %mul3A_149, %dma_wait3A_204] : memref<64x512x128xf32, #tpu.memory_space<hbm>> -> memref<1x128x128xf32, #tpu.memory_space<hbm>>
    %dma_wait3A_206 = tpu.memref_squeeze %dma_wait3A_205 : memref<1x128x128xf32, #tpu.memory_space<hbm>> -> memref<128x128xf32, #tpu.memory_space<hbm>>
    %dma_wait3A_207 = arith.constant 0 : i32
    %dma_wait3A_208 = tpu.memref_slice %arg5[%add3A_151, %mul3A_149, %dma_wait3A_207] : memref<64x512x128xf32, #tpu.memory_space<hbm>> -> memref<1x128x128xf32, #tpu.memory_space<hbm>>
    %dma_wait3A_209 = tpu.memref_squeeze %dma_wait3A_208 : memref<1x128x128xf32, #tpu.memory_space<hbm>> -> memref<128x128xf32, #tpu.memory_space<hbm>>
    tpu.wait_dma2 semaphore(%arg29 : memref<!tpu.dma_semaphore, #tpu.memory_space<semaphore_mem>>) src(%arg8 : memref<128x128xf32, #tpu.memory_space<vmem>>) dst(%dma_wait3A_209 : memref<128x128xf32, #tpu.memory_space<hbm>>)
    %add3A_210 = arith.constant 7 : i32
    %add3A_211 = arith.addi %add3A_210, %rem3A_10 : i32
    %rem3A_212 = arith.constant 4 : i32
    %rem3A_213 = arith.remsi %add3A_211, %rem3A_212 : i32
    %mul3A_214 = arith.constant 128 : i32
    %mul3A_215 = arith.muli %rem3A_213, %mul3A_214 : i32
    %dma_start3A_216 = arith.constant 0 : i32
    %dma_start3A_217 = tpu.memref_slice %arg7[%mul3A_215, %dma_start3A_216] : memref<512x128xf32, #tpu.memory_space<vmem_shared>> -> memref<128x128xf32, #tpu.memory_space<vmem_shared>>
    %dma_start3A_218 = arith.constant 0 : i32
    %dma_start3A_219 = tpu.memref_slice %arg7[%mul3A_215, %dma_start3A_218] : memref<512x128xf32, #tpu.memory_space<vmem_shared>> -> memref<128x128xf32, #tpu.memory_space<vmem_shared>>
    tpu.enqueue_dma source(%dma_start3A_219 : memref<128x128xf32, #tpu.memory_space<vmem_shared>>) target(%arg8 : memref<128x128xf32, #tpu.memory_space<vmem>>) target_semaphore(%arg15 : memref<!tpu.dma_semaphore, #tpu.memory_space<semaphore_mem>>)
    %dma_wait3A_220 = arith.constant 0 : i32
    %dma_wait3A_221 = tpu.memref_slice %arg7[%mul3A_117, %dma_wait3A_220] : memref<512x128xf32, #tpu.memory_space<vmem_shared>> -> memref<128x128xf32, #tpu.memory_space<vmem_shared>>
    %dma_wait3A_222 = arith.constant 0 : i32
    %dma_wait3A_223 = tpu.memref_slice %arg7[%mul3A_117, %dma_wait3A_222] : memref<512x128xf32, #tpu.memory_space<vmem_shared>> -> memref<128x128xf32, #tpu.memory_space<vmem_shared>>
    tpu.wait_dma2 semaphore(%arg20 : memref<!tpu.dma_semaphore, #tpu.memory_space<semaphore_mem>>) src(%dma_wait3A_223 : memref<128x128xf32, #tpu.memory_space<vmem_shared>>) dst(%arg13 : memref<128x128xf32, #tpu.memory_space<vmem>>)
    %add3A_224 = arith.constant 5 : i32
    %add3A_225 = arith.addi %add3A_224, %rem3A_10 : i32
    %rem3A_226 = arith.constant 4 : i32
    %rem3A_227 = arith.remsi %add3A_225, %rem3A_226 : i32
    %mul3A_228 = arith.constant 128 : i32
    %mul3A_229 = arith.muli %rem3A_227, %mul3A_228 : i32
    %dma_start3A_230 = arith.constant 1 : i32
    %dma_start3A_231 = tpu.memref_slice %arg6[%dma_start3A_230, %mul3A_229] : memref<2x512xi32, #tpu.memory_space<vmem>> -> memref<1x128xi32, #tpu.memory_space<vmem>>
    %dma_start3A_232 = tpu.memref_squeeze %dma_start3A_231 : memref<1x128xi32, #tpu.memory_space<vmem>> -> memref<128xi32, #tpu.memory_space<vmem>>
    %dma_start3A_233 = arith.constant 0 : i32
    %dma_start3A_234 = arith.constant 0 : i32
    %dma_start3A_235 = tpu.memref_slice %arg3[%dma_start3A_233, %dma_start3A_234] : memref<100000x128xf32, #tpu.memory_space<hbm>> -> memref<100000x128xf32, #tpu.memory_space<hbm>>
    tpu.enqueue_indirect_dma source(%dma_start3A_235 : memref<100000x128xf32, #tpu.memory_space<hbm>>) target(%arg13 : memref<128x128xf32, #tpu.memory_space<vmem>>) offsets(%dma_start3A_232 : memref<128xi32, #tpu.memory_space<vmem>>) semaphore(%arg27 : memref<!tpu.dma_semaphore, #tpu.memory_space<semaphore_mem>>) {add = true}
    %dma_wait3A_236 = arith.constant 0 : i32
    %dma_wait3A_237 = tpu.memref_slice %arg6[%dma_wait3A_236, %mul3A_105] : memref<2x512xi32, #tpu.memory_space<vmem>> -> memref<1x128xi32, #tpu.memory_space<vmem>>
    %dma_wait3A_238 = tpu.memref_squeeze %dma_wait3A_237 : memref<1x128xi32, #tpu.memory_space<vmem>> -> memref<128xi32, #tpu.memory_space<vmem>>
    %dma_wait3A_239 = arith.constant 0 : i32
    %dma_wait3A_240 = arith.constant 0 : i32
    %dma_wait3A_241 = tpu.memref_slice %arg3[%dma_wait3A_239, %dma_wait3A_240] : memref<100000x128xf32, #tpu.memory_space<hbm>> -> memref<100000x128xf32, #tpu.memory_space<hbm>>
    tpu.wait_indirect_dma semaphore(%arg24 : memref<!tpu.dma_semaphore, #tpu.memory_space<semaphore_mem>>) src(%dma_wait3A_241 : memref<100000x128xf32, #tpu.memory_space<hbm>>) dst(%arg10 : memref<128x128xf32, #tpu.memory_space<vmem>>)
    %add3A_242 = arith.constant 2 : i32
    %add3A_243 = arith.addi %add3A_242, %rem3A_10 : i32
    %rem3A_244 = arith.constant 4 : i32
    %rem3A_245 = arith.remsi %add3A_243, %rem3A_244 : i32
    %mul3A_246 = arith.constant 128 : i32
    %mul3A_247 = arith.muli %rem3A_245, %mul3A_246 : i32
    %add3A_248 = arith.constant 0 : i32
    %add3A_249 = arith.addi %mul3A_2, %add3A_248 : i32
    %dma_start3A_250 = arith.constant 0 : i32
    %dma_start3A_251 = tpu.memref_slice %arg5[%add3A_249, %mul3A_247, %dma_start3A_250] : memref<64x512x128xf32, #tpu.memory_space<hbm>> -> memref<1x128x128xf32, #tpu.memory_space<hbm>>
    %dma_start3A_252 = tpu.memref_squeeze %dma_start3A_251 : memref<1x128x128xf32, #tpu.memory_space<hbm>> -> memref<128x128xf32, #tpu.memory_space<hbm>>
    %dma_start3A_253 = arith.constant 0 : i32
    %dma_start3A_254 = tpu.memref_slice %arg5[%add3A_249, %mul3A_247, %dma_start3A_253] : memref<64x512x128xf32, #tpu.memory_space<hbm>> -> memref<1x128x128xf32, #tpu.memory_space<hbm>>
    %dma_start3A_255 = tpu.memref_squeeze %dma_start3A_254 : memref<1x128x128xf32, #tpu.memory_space<hbm>> -> memref<128x128xf32, #tpu.memory_space<hbm>>
    tpu.enqueue_dma source(%arg10 : memref<128x128xf32, #tpu.memory_space<vmem>>) target(%dma_start3A_255 : memref<128x128xf32, #tpu.memory_space<hbm>>) target_semaphore(%arg31 : memref<!tpu.dma_semaphore, #tpu.memory_space<semaphore_mem>>)
    %dma_wait3A_256 = arith.constant 0 : i32
    %dma_wait3A_257 = tpu.memref_slice %arg7[%mul3A_163, %dma_wait3A_256] : memref<512x128xf32, #tpu.memory_space<vmem_shared>> -> memref<128x128xf32, #tpu.memory_space<vmem_shared>>
    %dma_wait3A_258 = arith.constant 0 : i32
    %dma_wait3A_259 = tpu.memref_slice %arg7[%mul3A_163, %dma_wait3A_258] : memref<512x128xf32, #tpu.memory_space<vmem_shared>> -> memref<128x128xf32, #tpu.memory_space<vmem_shared>>
    tpu.wait_dma2 semaphore(%arg21 : memref<!tpu.dma_semaphore, #tpu.memory_space<semaphore_mem>>) src(%dma_wait3A_259 : memref<128x128xf32, #tpu.memory_space<vmem_shared>>) dst(%arg14 : memref<128x128xf32, #tpu.memory_space<vmem>>)
    %add3A_260 = arith.constant 6 : i32
    %add3A_261 = arith.addi %add3A_260, %rem3A_10 : i32
    %rem3A_262 = arith.constant 4 : i32
    %rem3A_263 = arith.remsi %add3A_261, %rem3A_262 : i32
    %mul3A_264 = arith.constant 128 : i32
    %mul3A_265 = arith.muli %rem3A_263, %mul3A_264 : i32
    %dma_start3A_266 = arith.constant 1 : i32
    %dma_start3A_267 = tpu.memref_slice %arg6[%dma_start3A_266, %mul3A_265] : memref<2x512xi32, #tpu.memory_space<vmem>> -> memref<1x128xi32, #tpu.memory_space<vmem>>
    %dma_start3A_268 = tpu.memref_squeeze %dma_start3A_267 : memref<1x128xi32, #tpu.memory_space<vmem>> -> memref<128xi32, #tpu.memory_space<vmem>>
    %dma_start3A_269 = arith.constant 0 : i32
    %dma_start3A_270 = arith.constant 0 : i32
    %dma_start3A_271 = tpu.memref_slice %arg3[%dma_start3A_269, %dma_start3A_270] : memref<100000x128xf32, #tpu.memory_space<hbm>> -> memref<100000x128xf32, #tpu.memory_space<hbm>>
    tpu.enqueue_indirect_dma source(%dma_start3A_271 : memref<100000x128xf32, #tpu.memory_space<hbm>>) target(%arg14 : memref<128x128xf32, #tpu.memory_space<vmem>>) offsets(%dma_start3A_268 : memref<128xi32, #tpu.memory_space<vmem>>) semaphore(%arg28 : memref<!tpu.dma_semaphore, #tpu.memory_space<semaphore_mem>>) {add = true}
    %dma_wait3A_272 = arith.constant 0 : i32
    %dma_wait3A_273 = tpu.memref_slice %arg6[%dma_wait3A_272, %mul3A_131] : memref<2x512xi32, #tpu.memory_space<vmem>> -> memref<1x128xi32, #tpu.memory_space<vmem>>
    %dma_wait3A_274 = tpu.memref_squeeze %dma_wait3A_273 : memref<1x128xi32, #tpu.memory_space<vmem>> -> memref<128xi32, #tpu.memory_space<vmem>>
    %dma_wait3A_275 = arith.constant 0 : i32
    %dma_wait3A_276 = arith.constant 0 : i32
    %dma_wait3A_277 = tpu.memref_slice %arg3[%dma_wait3A_275, %dma_wait3A_276] : memref<100000x128xf32, #tpu.memory_space<hbm>> -> memref<100000x128xf32, #tpu.memory_space<hbm>>
    tpu.wait_indirect_dma semaphore(%arg25 : memref<!tpu.dma_semaphore, #tpu.memory_space<semaphore_mem>>) src(%dma_wait3A_277 : memref<100000x128xf32, #tpu.memory_space<hbm>>) dst(%arg11 : memref<128x128xf32, #tpu.memory_space<vmem>>)
    %add3A_278 = arith.constant 3 : i32
    %add3A_279 = arith.addi %add3A_278, %rem3A_10 : i32
    %rem3A_280 = arith.constant 4 : i32
    %rem3A_281 = arith.remsi %add3A_279, %rem3A_280 : i32
    %mul3A_282 = arith.constant 128 : i32
    %mul3A_283 = arith.muli %rem3A_281, %mul3A_282 : i32
    %add3A_284 = arith.constant 0 : i32
    %add3A_285 = arith.addi %mul3A_2, %add3A_284 : i32
    %dma_start3A_286 = arith.constant 0 : i32
    %dma_start3A_287 = tpu.memref_slice %arg5[%add3A_285, %mul3A_283, %dma_start3A_286] : memref<64x512x128xf32, #tpu.memory_space<hbm>> -> memref<1x128x128xf32, #tpu.memory_space<hbm>>
    %dma_start3A_288 = tpu.memref_squeeze %dma_start3A_287 : memref<1x128x128xf32, #tpu.memory_space<hbm>> -> memref<128x128xf32, #tpu.memory_space<hbm>>
    %dma_start3A_289 = arith.constant 0 : i32
    %dma_start3A_290 = tpu.memref_slice %arg5[%add3A_285, %mul3A_283, %dma_start3A_289] : memref<64x512x128xf32, #tpu.memory_space<hbm>> -> memref<1x128x128xf32, #tpu.memory_space<hbm>>
    %dma_start3A_291 = tpu.memref_squeeze %dma_start3A_290 : memref<1x128x128xf32, #tpu.memory_space<hbm>> -> memref<128x128xf32, #tpu.memory_space<hbm>>
    tpu.enqueue_dma source(%arg11 : memref<128x128xf32, #tpu.memory_space<vmem>>) target(%dma_start3A_291 : memref<128x128xf32, #tpu.memory_space<hbm>>) target_semaphore(%arg32 : memref<!tpu.dma_semaphore, #tpu.memory_space<semaphore_mem>>)
    %dma_wait3A_292 = arith.constant 0 : i32
    %dma_wait3A_293 = tpu.memref_slice %arg7[%mul3A_215, %dma_wait3A_292] : memref<512x128xf32, #tpu.memory_space<vmem_shared>> -> memref<128x128xf32, #tpu.memory_space<vmem_shared>>
    %dma_wait3A_294 = arith.constant 0 : i32
    %dma_wait3A_295 = tpu.memref_slice %arg7[%mul3A_215, %dma_wait3A_294] : memref<512x128xf32, #tpu.memory_space<vmem_shared>> -> memref<128x128xf32, #tpu.memory_space<vmem_shared>>
    tpu.wait_dma2 semaphore(%arg15 : memref<!tpu.dma_semaphore, #tpu.memory_space<semaphore_mem>>) src(%dma_wait3A_295 : memref<128x128xf32, #tpu.memory_space<vmem_shared>>) dst(%arg8 : memref<128x128xf32, #tpu.memory_space<vmem>>)
    %add3A_296 = arith.constant 7 : i32
    %add3A_297 = arith.addi %add3A_296, %rem3A_10 : i32
    %rem3A_298 = arith.constant 4 : i32
    %rem3A_299 = arith.remsi %add3A_297, %rem3A_298 : i32
    %mul3A_300 = arith.constant 128 : i32
    %mul3A_301 = arith.muli %rem3A_299, %mul3A_300 : i32
    %dma_start3A_302 = arith.constant 1 : i32
    %dma_start3A_303 = tpu.memref_slice %arg6[%dma_start3A_302, %mul3A_301] : memref<2x512xi32, #tpu.memory_space<vmem>> -> memref<1x128xi32, #tpu.memory_space<vmem>>
    %dma_start3A_304 = tpu.memref_squeeze %dma_start3A_303 : memref<1x128xi32, #tpu.memory_space<vmem>> -> memref<128xi32, #tpu.memory_space<vmem>>
    %dma_start3A_305 = arith.constant 0 : i32
    %dma_start3A_306 = arith.constant 0 : i32
    %dma_start3A_307 = tpu.memref_slice %arg3[%dma_start3A_305, %dma_start3A_306] : memref<100000x128xf32, #tpu.memory_space<hbm>> -> memref<100000x128xf32, #tpu.memory_space<hbm>>
    tpu.enqueue_indirect_dma source(%dma_start3A_307 : memref<100000x128xf32, #tpu.memory_space<hbm>>) target(%arg8 : memref<128x128xf32, #tpu.memory_space<vmem>>) offsets(%dma_start3A_304 : memref<128xi32, #tpu.memory_space<vmem>>) semaphore(%arg22 : memref<!tpu.dma_semaphore, #tpu.memory_space<semaphore_mem>>) {add = true}
    %dma_wait3A_308 = arith.constant 1 : i32
    %dma_wait3A_309 = tpu.memref_slice %arg6[%dma_wait3A_308, %mul3A_177] : memref<2x512xi32, #tpu.memory_space<vmem>> -> memref<1x128xi32, #tpu.memory_space<vmem>>
    %dma_wait3A_310 = tpu.memref_squeeze %dma_wait3A_309 : memref<1x128xi32, #tpu.memory_space<vmem>> -> memref<128xi32, #tpu.memory_space<vmem>>
    %dma_wait3A_311 = arith.constant 0 : i32
    %dma_wait3A_312 = arith.constant 0 : i32
    %dma_wait3A_313 = tpu.memref_slice %arg3[%dma_wait3A_311, %dma_wait3A_312] : memref<100000x128xf32, #tpu.memory_space<hbm>> -> memref<100000x128xf32, #tpu.memory_space<hbm>>
    tpu.wait_indirect_dma semaphore(%arg26 : memref<!tpu.dma_semaphore, #tpu.memory_space<semaphore_mem>>) src(%dma_wait3A_313 : memref<100000x128xf32, #tpu.memory_space<hbm>>) dst(%arg12 : memref<128x128xf32, #tpu.memory_space<vmem>>)
    %add3A_314 = arith.constant 4 : i32
    %add3A_315 = arith.addi %add3A_314, %rem3A_10 : i32
    %rem3A_316 = arith.constant 4 : i32
    %rem3A_317 = arith.remsi %add3A_315, %rem3A_316 : i32
    %mul3A_318 = arith.constant 128 : i32
    %mul3A_319 = arith.muli %rem3A_317, %mul3A_318 : i32
    %add3A_320 = arith.constant 1 : i32
    %add3A_321 = arith.addi %mul3A_2, %add3A_320 : i32
    %dma_start3A_322 = arith.constant 0 : i32
    %dma_start3A_323 = tpu.memref_slice %arg5[%add3A_321, %mul3A_319, %dma_start3A_322] : memref<64x512x128xf32, #tpu.memory_space<hbm>> -> memref<1x128x128xf32, #tpu.memory_space<hbm>>
    %dma_start3A_324 = tpu.memref_squeeze %dma_start3A_323 : memref<1x128x128xf32, #tpu.memory_space<hbm>> -> memref<128x128xf32, #tpu.memory_space<hbm>>
    %dma_start3A_325 = arith.constant 0 : i32
    %dma_start3A_326 = tpu.memref_slice %arg5[%add3A_321, %mul3A_319, %dma_start3A_325] : memref<64x512x128xf32, #tpu.memory_space<hbm>> -> memref<1x128x128xf32, #tpu.memory_space<hbm>>
    %dma_start3A_327 = tpu.memref_squeeze %dma_start3A_326 : memref<1x128x128xf32, #tpu.memory_space<hbm>> -> memref<128x128xf32, #tpu.memory_space<hbm>>
    tpu.enqueue_dma source(%arg12 : memref<128x128xf32, #tpu.memory_space<vmem>>) target(%dma_start3A_327 : memref<128x128xf32, #tpu.memory_space<hbm>>) target_semaphore(%arg33 : memref<!tpu.dma_semaphore, #tpu.memory_space<semaphore_mem>>)
    %dma_wait3A_328 = arith.constant 1 : i32
    %dma_wait3A_329 = tpu.memref_slice %arg6[%dma_wait3A_328, %mul3A_229] : memref<2x512xi32, #tpu.memory_space<vmem>> -> memref<1x128xi32, #tpu.memory_space<vmem>>
    %dma_wait3A_330 = tpu.memref_squeeze %dma_wait3A_329 : memref<1x128xi32, #tpu.memory_space<vmem>> -> memref<128xi32, #tpu.memory_space<vmem>>
    %dma_wait3A_331 = arith.constant 0 : i32
    %dma_wait3A_332 = arith.constant 0 : i32
    %dma_wait3A_333 = tpu.memref_slice %arg3[%dma_wait3A_331, %dma_wait3A_332] : memref<100000x128xf32, #tpu.memory_space<hbm>> -> memref<100000x128xf32, #tpu.memory_space<hbm>>
    tpu.wait_indirect_dma semaphore(%arg27 : memref<!tpu.dma_semaphore, #tpu.memory_space<semaphore_mem>>) src(%dma_wait3A_333 : memref<100000x128xf32, #tpu.memory_space<hbm>>) dst(%arg13 : memref<128x128xf32, #tpu.memory_space<vmem>>)
    %add3A_334 = arith.constant 5 : i32
    %add3A_335 = arith.addi %add3A_334, %rem3A_10 : i32
    %rem3A_336 = arith.constant 4 : i32
    %rem3A_337 = arith.remsi %add3A_335, %rem3A_336 : i32
    %mul3A_338 = arith.constant 128 : i32
    %mul3A_339 = arith.muli %rem3A_337, %mul3A_338 : i32
    %add3A_340 = arith.constant 1 : i32
    %add3A_341 = arith.addi %mul3A_2, %add3A_340 : i32
    %dma_start3A_342 = arith.constant 0 : i32
    %dma_start3A_343 = tpu.memref_slice %arg5[%add3A_341, %mul3A_339, %dma_start3A_342] : memref<64x512x128xf32, #tpu.memory_space<hbm>> -> memref<1x128x128xf32, #tpu.memory_space<hbm>>
    %dma_start3A_344 = tpu.memref_squeeze %dma_start3A_343 : memref<1x128x128xf32, #tpu.memory_space<hbm>> -> memref<128x128xf32, #tpu.memory_space<hbm>>
    %dma_start3A_345 = arith.constant 0 : i32
    %dma_start3A_346 = tpu.memref_slice %arg5[%add3A_341, %mul3A_339, %dma_start3A_345] : memref<64x512x128xf32, #tpu.memory_space<hbm>> -> memref<1x128x128xf32, #tpu.memory_space<hbm>>
    %dma_start3A_347 = tpu.memref_squeeze %dma_start3A_346 : memref<1x128x128xf32, #tpu.memory_space<hbm>> -> memref<128x128xf32, #tpu.memory_space<hbm>>
    tpu.enqueue_dma source(%arg13 : memref<128x128xf32, #tpu.memory_space<vmem>>) target(%dma_start3A_347 : memref<128x128xf32, #tpu.memory_space<hbm>>) target_semaphore(%arg34 : memref<!tpu.dma_semaphore, #tpu.memory_space<semaphore_mem>>)
    %dma_wait3A_348 = arith.constant 1 : i32
    %dma_wait3A_349 = tpu.memref_slice %arg6[%dma_wait3A_348, %mul3A_265] : memref<2x512xi32, #tpu.memory_space<vmem>> -> memref<1x128xi32, #tpu.memory_space<vmem>>
    %dma_wait3A_350 = tpu.memref_squeeze %dma_wait3A_349 : memref<1x128xi32, #tpu.memory_space<vmem>> -> memref<128xi32, #tpu.memory_space<vmem>>
    %dma_wait3A_351 = arith.constant 0 : i32
    %dma_wait3A_352 = arith.constant 0 : i32
    %dma_wait3A_353 = tpu.memref_slice %arg3[%dma_wait3A_351, %dma_wait3A_352] : memref<100000x128xf32, #tpu.memory_space<hbm>> -> memref<100000x128xf32, #tpu.memory_space<hbm>>
    tpu.wait_indirect_dma semaphore(%arg28 : memref<!tpu.dma_semaphore, #tpu.memory_space<semaphore_mem>>) src(%dma_wait3A_353 : memref<100000x128xf32, #tpu.memory_space<hbm>>) dst(%arg14 : memref<128x128xf32, #tpu.memory_space<vmem>>)
    %add3A_354 = arith.constant 6 : i32
    %add3A_355 = arith.addi %add3A_354, %rem3A_10 : i32
    %rem3A_356 = arith.constant 4 : i32
    %rem3A_357 = arith.remsi %add3A_355, %rem3A_356 : i32
    %mul3A_358 = arith.constant 128 : i32
    %mul3A_359 = arith.muli %rem3A_357, %mul3A_358 : i32
    %add3A_360 = arith.constant 1 : i32
    %add3A_361 = arith.addi %mul3A_2, %add3A_360 : i32
    %dma_start3A_362 = arith.constant 0 : i32
    %dma_start3A_363 = tpu.memref_slice %arg5[%add3A_361, %mul3A_359, %dma_start3A_362] : memref<64x512x128xf32, #tpu.memory_space<hbm>> -> memref<1x128x128xf32, #tpu.memory_space<hbm>>
    %dma_start3A_364 = tpu.memref_squeeze %dma_start3A_363 : memref<1x128x128xf32, #tpu.memory_space<hbm>> -> memref<128x128xf32, #tpu.memory_space<hbm>>
    %dma_start3A_365 = arith.constant 0 : i32
    %dma_start3A_366 = tpu.memref_slice %arg5[%add3A_361, %mul3A_359, %dma_start3A_365] : memref<64x512x128xf32, #tpu.memory_space<hbm>> -> memref<1x128x128xf32, #tpu.memory_space<hbm>>
    %dma_start3A_367 = tpu.memref_squeeze %dma_start3A_366 : memref<1x128x128xf32, #tpu.memory_space<hbm>> -> memref<128x128xf32, #tpu.memory_space<hbm>>
    tpu.enqueue_dma source(%arg14 : memref<128x128xf32, #tpu.memory_space<vmem>>) target(%dma_start3A_367 : memref<128x128xf32, #tpu.memory_space<hbm>>) target_semaphore(%arg35 : memref<!tpu.dma_semaphore, #tpu.memory_space<semaphore_mem>>)
    %dma_wait3A_368 = arith.constant 1 : i32
    %dma_wait3A_369 = tpu.memref_slice %arg6[%dma_wait3A_368, %mul3A_301] : memref<2x512xi32, #tpu.memory_space<vmem>> -> memref<1x128xi32, #tpu.memory_space<vmem>>
    %dma_wait3A_370 = tpu.memref_squeeze %dma_wait3A_369 : memref<1x128xi32, #tpu.memory_space<vmem>> -> memref<128xi32, #tpu.memory_space<vmem>>
    %dma_wait3A_371 = arith.constant 0 : i32
    %dma_wait3A_372 = arith.constant 0 : i32
    %dma_wait3A_373 = tpu.memref_slice %arg3[%dma_wait3A_371, %dma_wait3A_372] : memref<100000x128xf32, #tpu.memory_space<hbm>> -> memref<100000x128xf32, #tpu.memory_space<hbm>>
    tpu.wait_indirect_dma semaphore(%arg22 : memref<!tpu.dma_semaphore, #tpu.memory_space<semaphore_mem>>) src(%dma_wait3A_373 : memref<100000x128xf32, #tpu.memory_space<hbm>>) dst(%arg8 : memref<128x128xf32, #tpu.memory_space<vmem>>)
    %add3A_374 = arith.constant 7 : i32
    %add3A_375 = arith.addi %add3A_374, %rem3A_10 : i32
    %rem3A_376 = arith.constant 4 : i32
    %rem3A_377 = arith.remsi %add3A_375, %rem3A_376 : i32
    %mul3A_378 = arith.constant 128 : i32
    %mul3A_379 = arith.muli %rem3A_377, %mul3A_378 : i32
    %add3A_380 = arith.constant 1 : i32
    %add3A_381 = arith.addi %mul3A_2, %add3A_380 : i32
    %dma_start3A_382 = arith.constant 0 : i32
    %dma_start3A_383 = tpu.memref_slice %arg5[%add3A_381, %mul3A_379, %dma_start3A_382] : memref<64x512x128xf32, #tpu.memory_space<hbm>> -> memref<1x128x128xf32, #tpu.memory_space<hbm>>
    %dma_start3A_384 = tpu.memref_squeeze %dma_start3A_383 : memref<1x128x128xf32, #tpu.memory_space<hbm>> -> memref<128x128xf32, #tpu.memory_space<hbm>>
    %dma_start3A_385 = arith.constant 0 : i32
    %dma_start3A_386 = tpu.memref_slice %arg5[%add3A_381, %mul3A_379, %dma_start3A_385] : memref<64x512x128xf32, #tpu.memory_space<hbm>> -> memref<1x128x128xf32, #tpu.memory_space<hbm>>
    %dma_start3A_387 = tpu.memref_squeeze %dma_start3A_386 : memref<1x128x128xf32, #tpu.memory_space<hbm>> -> memref<128x128xf32, #tpu.memory_space<hbm>>
    tpu.enqueue_dma source(%arg8 : memref<128x128xf32, #tpu.memory_space<vmem>>) target(%dma_start3A_387 : memref<128x128xf32, #tpu.memory_space<hbm>>) target_semaphore(%arg29 : memref<!tpu.dma_semaphore, #tpu.memory_space<semaphore_mem>>)
    %dma_wait3A_388 = arith.constant 0 : i32
    %dma_wait3A_389 = tpu.memref_slice %arg5[%add3A_381, %mul3A_379, %dma_wait3A_388] : memref<64x512x128xf32, #tpu.memory_space<hbm>> -> memref<1x128x128xf32, #tpu.memory_space<hbm>>
    %dma_wait3A_390 = tpu.memref_squeeze %dma_wait3A_389 : memref<1x128x128xf32, #tpu.memory_space<hbm>> -> memref<128x128xf32, #tpu.memory_space<hbm>>
    %dma_wait3A_391 = arith.constant 0 : i32
    %dma_wait3A_392 = tpu.memref_slice %arg5[%add3A_381, %mul3A_379, %dma_wait3A_391] : memref<64x512x128xf32, #tpu.memory_space<hbm>> -> memref<1x128x128xf32, #tpu.memory_space<hbm>>
    %dma_wait3A_393 = tpu.memref_squeeze %dma_wait3A_392 : memref<1x128x128xf32, #tpu.memory_space<hbm>> -> memref<128x128xf32, #tpu.memory_space<hbm>>
    tpu.wait_dma2 semaphore(%arg29 : memref<!tpu.dma_semaphore, #tpu.memory_space<semaphore_mem>>) src(%arg8 : memref<128x128xf32, #tpu.memory_space<vmem>>) dst(%dma_wait3A_393 : memref<128x128xf32, #tpu.memory_space<hbm>>)
    %dma_wait3A_394 = arith.constant 0 : i32
    %dma_wait3A_395 = tpu.memref_slice %arg5[%add3A_197, %mul3A_195, %dma_wait3A_394] : memref<64x512x128xf32, #tpu.memory_space<hbm>> -> memref<1x128x128xf32, #tpu.memory_space<hbm>>
    %dma_wait3A_396 = tpu.memref_squeeze %dma_wait3A_395 : memref<1x128x128xf32, #tpu.memory_space<hbm>> -> memref<128x128xf32, #tpu.memory_space<hbm>>
    %dma_wait3A_397 = arith.constant 0 : i32
    %dma_wait3A_398 = tpu.memref_slice %arg5[%add3A_197, %mul3A_195, %dma_wait3A_397] : memref<64x512x128xf32, #tpu.memory_space<hbm>> -> memref<1x128x128xf32, #tpu.memory_space<hbm>>
    %dma_wait3A_399 = tpu.memref_squeeze %dma_wait3A_398 : memref<1x128x128xf32, #tpu.memory_space<hbm>> -> memref<128x128xf32, #tpu.memory_space<hbm>>
    tpu.wait_dma2 semaphore(%arg30 : memref<!tpu.dma_semaphore, #tpu.memory_space<semaphore_mem>>) src(%arg9 : memref<128x128xf32, #tpu.memory_space<vmem>>) dst(%dma_wait3A_399 : memref<128x128xf32, #tpu.memory_space<hbm>>)
    %dma_wait3A_400 = arith.constant 0 : i32
    %dma_wait3A_401 = tpu.memref_slice %arg5[%add3A_249, %mul3A_247, %dma_wait3A_400] : memref<64x512x128xf32, #tpu.memory_space<hbm>> -> memref<1x128x128xf32, #tpu.memory_space<hbm>>
    %dma_wait3A_402 = tpu.memref_squeeze %dma_wait3A_401 : memref<1x128x128xf32, #tpu.memory_space<hbm>> -> memref<128x128xf32, #tpu.memory_space<hbm>>
    %dma_wait3A_403 = arith.constant 0 : i32
    %dma_wait3A_404 = tpu.memref_slice %arg5[%add3A_249, %mul3A_247, %dma_wait3A_403] : memref<64x512x128xf32, #tpu.memory_space<hbm>> -> memref<1x128x128xf32, #tpu.memory_space<hbm>>
    %dma_wait3A_405 = tpu.memref_squeeze %dma_wait3A_404 : memref<1x128x128xf32, #tpu.memory_space<hbm>> -> memref<128x128xf32, #tpu.memory_space<hbm>>
    tpu.wait_dma2 semaphore(%arg31 : memref<!tpu.dma_semaphore, #tpu.memory_space<semaphore_mem>>) src(%arg10 : memref<128x128xf32, #tpu.memory_space<vmem>>) dst(%dma_wait3A_405 : memref<128x128xf32, #tpu.memory_space<hbm>>)
    %dma_wait3A_406 = arith.constant 0 : i32
    %dma_wait3A_407 = tpu.memref_slice %arg5[%add3A_285, %mul3A_283, %dma_wait3A_406] : memref<64x512x128xf32, #tpu.memory_space<hbm>> -> memref<1x128x128xf32, #tpu.memory_space<hbm>>
    %dma_wait3A_408 = tpu.memref_squeeze %dma_wait3A_407 : memref<1x128x128xf32, #tpu.memory_space<hbm>> -> memref<128x128xf32, #tpu.memory_space<hbm>>
    %dma_wait3A_409 = arith.constant 0 : i32
    %dma_wait3A_410 = tpu.memref_slice %arg5[%add3A_285, %mul3A_283, %dma_wait3A_409] : memref<64x512x128xf32, #tpu.memory_space<hbm>> -> memref<1x128x128xf32, #tpu.memory_space<hbm>>
    %dma_wait3A_411 = tpu.memref_squeeze %dma_wait3A_410 : memref<1x128x128xf32, #tpu.memory_space<hbm>> -> memref<128x128xf32, #tpu.memory_space<hbm>>
    tpu.wait_dma2 semaphore(%arg32 : memref<!tpu.dma_semaphore, #tpu.memory_space<semaphore_mem>>) src(%arg11 : memref<128x128xf32, #tpu.memory_space<vmem>>) dst(%dma_wait3A_411 : memref<128x128xf32, #tpu.memory_space<hbm>>)
    %dma_wait3A_412 = arith.constant 0 : i32
    %dma_wait3A_413 = tpu.memref_slice %arg5[%add3A_321, %mul3A_319, %dma_wait3A_412] : memref<64x512x128xf32, #tpu.memory_space<hbm>> -> memref<1x128x128xf32, #tpu.memory_space<hbm>>
    %dma_wait3A_414 = tpu.memref_squeeze %dma_wait3A_413 : memref<1x128x128xf32, #tpu.memory_space<hbm>> -> memref<128x128xf32, #tpu.memory_space<hbm>>
    %dma_wait3A_415 = arith.constant 0 : i32
    %dma_wait3A_416 = tpu.memref_slice %arg5[%add3A_321, %mul3A_319, %dma_wait3A_415] : memref<64x512x128xf32, #tpu.memory_space<hbm>> -> memref<1x128x128xf32, #tpu.memory_space<hbm>>
    %dma_wait3A_417 = tpu.memref_squeeze %dma_wait3A_416 : memref<1x128x128xf32, #tpu.memory_space<hbm>> -> memref<128x128xf32, #tpu.memory_space<hbm>>
    tpu.wait_dma2 semaphore(%arg33 : memref<!tpu.dma_semaphore, #tpu.memory_space<semaphore_mem>>) src(%arg12 : memref<128x128xf32, #tpu.memory_space<vmem>>) dst(%dma_wait3A_417 : memref<128x128xf32, #tpu.memory_space<hbm>>)
    %dma_wait3A_418 = arith.constant 0 : i32
    %dma_wait3A_419 = tpu.memref_slice %arg5[%add3A_341, %mul3A_339, %dma_wait3A_418] : memref<64x512x128xf32, #tpu.memory_space<hbm>> -> memref<1x128x128xf32, #tpu.memory_space<hbm>>
    %dma_wait3A_420 = tpu.memref_squeeze %dma_wait3A_419 : memref<1x128x128xf32, #tpu.memory_space<hbm>> -> memref<128x128xf32, #tpu.memory_space<hbm>>
    %dma_wait3A_421 = arith.constant 0 : i32
    %dma_wait3A_422 = tpu.memref_slice %arg5[%add3A_341, %mul3A_339, %dma_wait3A_421] : memref<64x512x128xf32, #tpu.memory_space<hbm>> -> memref<1x128x128xf32, #tpu.memory_space<hbm>>
    %dma_wait3A_423 = tpu.memref_squeeze %dma_wait3A_422 : memref<1x128x128xf32, #tpu.memory_space<hbm>> -> memref<128x128xf32, #tpu.memory_space<hbm>>
    tpu.wait_dma2 semaphore(%arg34 : memref<!tpu.dma_semaphore, #tpu.memory_space<semaphore_mem>>) src(%arg13 : memref<128x128xf32, #tpu.memory_space<vmem>>) dst(%dma_wait3A_423 : memref<128x128xf32, #tpu.memory_space<hbm>>)
    %dma_wait3A_424 = arith.constant 0 : i32
    %dma_wait3A_425 = tpu.memref_slice %arg5[%add3A_361, %mul3A_359, %dma_wait3A_424] : memref<64x512x128xf32, #tpu.memory_space<hbm>> -> memref<1x128x128xf32, #tpu.memory_space<hbm>>
    %dma_wait3A_426 = tpu.memref_squeeze %dma_wait3A_425 : memref<1x128x128xf32, #tpu.memory_space<hbm>> -> memref<128x128xf32, #tpu.memory_space<hbm>>
    %dma_wait3A_427 = arith.constant 0 : i32
    %dma_wait3A_428 = tpu.memref_slice %arg5[%add3A_361, %mul3A_359, %dma_wait3A_427] : memref<64x512x128xf32, #tpu.memory_space<hbm>> -> memref<1x128x128xf32, #tpu.memory_space<hbm>>
    %dma_wait3A_429 = tpu.memref_squeeze %dma_wait3A_428 : memref<1x128x128xf32, #tpu.memory_space<hbm>> -> memref<128x128xf32, #tpu.memory_space<hbm>>
    tpu.wait_dma2 semaphore(%arg35 : memref<!tpu.dma_semaphore, #tpu.memory_space<semaphore_mem>>) src(%arg14 : memref<128x128xf32, #tpu.memory_space<vmem>>) dst(%dma_wait3A_429 : memref<128x128xf32, #tpu.memory_space<hbm>>)
    return
  }
}

</mosaic_0001>

<sc_bundles>
// kernel: kernel.3.cloned.1.call-start
scs
__scs_entry_jumppad:
0x0: {  	(pc) =	sbr.rel $0x88, $3  }
0x1: {  	(tag) =	ssettag $0x0;
	lr =	simm.s32 $0x1  }
0x2: {  	[smem:$0x3F9E] =	sst lr;
	_ =	strace $0xD0000000  }
0x3: {  	_ = 	snop  }
0x4: {  	_ = 	snop  }
0x5: {  	_ = 	snop  }
0x6: {  	_ = 	snop  }
0x7: {  	_ = 	snop  }
__scs_overlays_trampoline_lowered:
0x8: {  	[smem:$0x3FAD] =	sst s0  }
0x9: {  	[smem:$0x3FAE] =	sst s1  }
0xa: {  	[smem:$0x3FAF] =	sst s2  }
0xb: {  	[smem:$0x3FB0] =	sst s3  }
0xc: {  	[smem:$0x3FB1] =	sst s4  }
0xd: {  	[smem:$0x3FB2] =	sst s5  }
0xe: {  	[smem:$0x3FB3] =	sst s6  }
0xf: {  	[smem:$0x3FB4] =	sst s7  }
0x10: {  	[smem:$0x3FB5] =	sst s8  }
0x11: {  	[smem:$0x3FB6] =	sst s9;
	s0 =	simm.s32 @!p0 $0x0  }
0x12: {  	s1 =	sld [smem:$0x3F9C];
	s0 =	simm.s32 @p0 $0x1  }
0x13: {  	[smem:$0x3FB7] =	sst s0;
	s0 =	simm.s32 @!p1 $0x0  }
0x14: {  	s2 =	sld [smem:$0x3F9B];
	s0 =	simm.s32 @p1 $0x1  }
0x15: {  	[smem:$0x3FB8] =	sst s0;
	s0 =	simm.s32 @!p2 $0x0  }
0x16: {  	s3 =	sld [smem:$0x3FDB];
	s0 =	simm.s32 @p2 $0x1  }
0x17: {  	s4 =	simm.s32 $0x1BF5;
	[smem:$0x3FBA] =	sst s0  }
0x18: {  	s0 =	sld [smem:$0x3F9D];
	_ =	swait.ge [sflag:s4], $0x0  }
0x19: {  	s7 =	sld [smem:$0x3F9E]  }
0x1a: {  	s8 =	sadd.s32 $0xFFFFE003, lr  }
0x1b: {  	s9 =	sadd.s32 $0xFFFFFEF7, lr;
	s5 =	simm.s32 $0xFFFFFFFF;
	p2 =	slt.u32 s8, $0xFFFFF086  }
0x1c: {  	p1 =	slt.u32 s9, $0xF7A;
	s5 =	simm.s32 @!p2 $0x0  }
0x1d: {  	s5 =	simm.s32 @p1 $0x1;
	p0 =	seq.s32 s7, s2  }
0x1e: {  	s7 =	smul.u32 @!p0 $0xF7A, s2;
	p2 =	seq.s32 @!p0 s5, $0x0  }
0x1f: {  	s9 =	smul.u32 $0xF7A, s1;
	s8 =	simm.s32 @!p0 $0x1BF5;
	p2 =	por !p2, p0  }
0x20: {  	[sflag:s8] =	ssyncset.s32 @!p0 $0xFFFFF086;
	s6 =	sadd.s32 @!p0 s3, s7;
	s7 =	simm.s32 @!p0 $0x108  }
0x21: {  	s3 =	sadd.s32 s3, s9;
	s6 =	sadd.s32 @!p0 $0x88, s6;
	s7 =	simm.s32 @p2 $0x1082  }
0x22: {  	[simem:s7], [sflag:s8] =	dma.local @!p0 [hbm:s6], $0xF7A  }
0x23: {  	s9 =	sor.u32 $0xD0000000, s2;
	s6 =	simm.s32 $0x108;
	_ =	swait.ge @!p0 [sflag:s8], $0x0  }
0x24: {  	s3 =	sadd.s32 $0x88, s3;
	s6 =	simm.s32 @!p1 $0x1082;
	[sflag:s4] =	ssyncset.s32 $0xFFFFF086  }
0x25: {  	[simem:s6], [sflag:s4] =	dma.local [hbm:s3], $0xF7A  }
0x26: {  	[smem:$0x3F9E] =	sst s1;
	(tag) =	ssettag s2;
	_ =	strace s9  }
0x27: {  	s1 =	sld [smem:$0x3FAE]  }
0x28: {  	s2 =	sld [smem:$0x3FAF]  }
0x29: {  	s4 =	sld [smem:$0x3FB1]  }
0x2a: {  	p0 =	seq.s32 s5, $0x0;
	s5 =	sld [smem:$0x3FB2]  }
0x2b: {  	s6 =	sld [smem:$0x3FB3]  }
0x2c: {  	s7 =	sld [smem:$0x3FB4]  }
0x2d: {  	s3 =	simm.s32 $0x108;
	s8 =	sld [smem:$0x3FB5]  }
0x2e: {  	s3 =	simm.s32 @!p0 $0x1082;
	s9 =	sld [smem:$0x3FB6]  }
0x2f: {  	lr =	sadd.s32 s0, s3;
	s0 =	sld [smem:$0x3FAD]  }
0x30: {  	s3 =	sld [smem:$0x3FB0]  }
0x31: {  	[smem:$0x3FB9] =	sst s10  }
0x32: {  	s10 =	sld [smem:$0x3FB7];
	_ =	sdelay $0x3  }
0x33: {  	p0 =	seq.s32 s10, $0x1;
	s10 =	sld [smem:$0x3FB9];
	_ =	sdelay $0x3  }
0x34: {  	[smem:$0x3FB9] =	sst s10  }
0x35: {  	s10 =	sld [smem:$0x3FB8];
	_ =	sdelay $0x3  }
0x36: {  	p1 =	seq.s32 s10, $0x1;
	s10 =	sld [smem:$0x3FB9];
	_ =	sdelay $0x3  }
0x37: {  	[smem:$0x3FB9] =	sst s10  }
0x38: {  	s10 =	sld [smem:$0x3FBA]  }
0x39: {  	_ = 	snop;
	(pc) =	sbr.ind lr, $3  }
0x3a: {  	_ = 	snop  }
0x3b: {  	_ = 	snop  }
0x3c: {  	p2 =	seq.s32 s10, $0x1;
	s10 =	sld [smem:$0x3FB9]  }
0x3d: {  	_ =	shalt  }
0x3e: {  	_ =	shalt  }
0x3f: {  	_ =	shalt  }
0x40: {  	_ =	shalt  }
0x41: {  	_ =	shalt  }
0x42: {  	_ =	shalt  }
0x43: {  	_ =	shalt  }
0x44: {  	_ =	shalt  }
0x45: {  	_ =	shalt  }
0x46: {  	_ =	shalt  }
0x47: {  	_ =	shalt  }
0x48: {  	_ =	shalt  }
0x49: {  	_ =	shalt  }
0x4a: {  	_ =	shalt  }
0x4b: {  	_ =	shalt  }
0x4c: {  	_ =	shalt  }
0x4d: {  	_ =	shalt  }
0x4e: {  	_ =	shalt  }
0x4f: {  	_ =	shalt  }
0x50: {  	_ =	shalt  }
0x51: {  	_ =	shalt  }
0x52: {  	_ =	shalt  }
0x53: {  	_ =	shalt  }
0x54: {  	_ =	shalt  }
0x55: {  	_ =	shalt  }
0x56: {  	_ =	shalt  }
0x57: {  	_ =	shalt  }
0x58: {  	_ =	shalt  }
0x59: {  	_ =	shalt  }
0x5a: {  	_ =	shalt  }
0x5b: {  	_ =	shalt  }
0x5c: {  	_ =	shalt  }
0x5d: {  	_ =	shalt  }
0x5e: {  	_ =	shalt  }
0x5f: {  	_ =	shalt  }
0x60: {  	_ =	shalt  }
0x61: {  	_ =	shalt  }
0x62: {  	_ =	shalt  }
0x63: {  	_ =	shalt  }
0x64: {  	_ =	shalt  }
0x65: {  	_ =	shalt  }
0x66: {  	_ =	shalt  }
0x67: {  	_ =	shalt  }
0x68: {  	_ =	shalt  }
0x69: {  	_ =	shalt  }
0x6a: {  	_ =	shalt  }
0x6b: {  	_ =	shalt  }
0x6c: {  	_ =	shalt  }
0x6d: {  	_ =	shalt  }
0x6e: {  	_ =	shalt  }
0x6f: {  	_ =	shalt  }
0x70: {  	_ =	shalt  }
0x71: {  	_ =	shalt  }
0x72: {  	_ =	shalt  }
0x73: {  	_ =	shalt  }
0x74: {  	_ =	shalt  }
0x75: {  	_ =	shalt  }
0x76: {  	_ =	shalt  }
0x77: {  	_ =	shalt  }
0x78: {  	_ =	shalt  }
0x79: {  	_ =	shalt  }
0x7a: {  	_ =	shalt  }
0x7b: {  	_ =	shalt  }
0x7c: {  	_ =	shalt  }
0x7d: {  	_ =	shalt  }
0x7e: {  	_ =	shalt  }
0x7f: {  	_ =	shalt  }
0x80: {  	_ =	shalt  }
0x81: {  	_ =	shalt  }
0x82: {  	_ =	shalt  }
0x83: {  	_ =	shalt  }
0x84: {  	_ =	shalt  }
0x85: {  	_ =	shalt  }
0x86: {  	_ =	shalt  }
0x87: {  	_ =	shalt  }
.Lfunc_end0:
.L_simem_size_0:
called_computation_lowered:
.L_overlay_start_0:
0x88: {  	s2 =	sld [smem:$0x3FD9]  }
0x89: {  	s3 =	sld [smem:$0x3FFE];
	_ =	sdelay $0x1  }
0x8a: {  	s1 =	srdreg.scid  }
0x8b: {  	s0 =	sand.u32 $0x1, s1  }
0x8c: {  	s18 =	sshll.u32 s0, $0xA;
	s2 =	sadd.s32 s3, s2  }
0x8d: {  	s2 =	sadd.s32 s2, s18  }
0x8e: {  	[smem:$0x3FC5] =	sst s2  }
0x8f: {  	_ = 	snop  }
0x90: {  	s2 =	sld [smem:$0x3FC9]  }
0x91: {  	s19 =	sld [smem:$0x3FC8]  }
0x92: {  	s4 =	sld [smem:$0x3FC7]  }
0x93: {  	s5 =	sld [smem:$0x3FD0];
	(tm) =	ssettm $0x1  }
0x94: {  	s6 =	sld [smem:$0x3FFB];
	_ =	sdelay $0x3  }
0x95: {  	_ =	strace s6  }
0x96: {  	s6 =	sld [smem:$0x3FFC];
	_ =	sdelay $0x3  }
0x97: {  	_ =	strace s6  }
0x98: {  	s6 =	sld [smem:$0x3FFD];
	_ =	sdelay $0x3  }
0x99: {  	_ =	strace s6  }
0x9a: {  	_ =	strace $0x8FFFFFFF  }
0x9b: {  	s20 =	sld [smem:$0x3FDB];
	_ =	sdelay $0x1  }
0x9c: {  	s7 =	simm.s32 $_scs_section_size  }
0x9d: {  	s8 =	simm.s32 $_size__tile_overlayer_lowered;
	s9 =	simm.s32 $_tile_overlayer_lowered  }
0x9e: {  	s23 =	simm.s32 $0x1BFF;
	s22 =	sshll.u32 s9, $0x1;
	s6 =	sadd.s32 s7, s20  }
0x9f: {  	s10 =	simm.s32 $0x0;
	s21 =	sshll.u32 s8, $0x1;
	s8 =	sadd.s32 s22, s6  }
0xa0: {  	[timem:s10], [sflag:s23] =	dma.local [hbm:s8], s21  }
0xa1: {  	_ =	swait.ge [sflag:s23], s21  }
0xa2: {  	s7 =	ssub.s32 $0x0, s21;
	[sflag:s23] =	ssyncset.done $0x0  }
0xa3: {  	[sflag:s23] =	ssyncadd.s32 s7;
	_ =	sdelay $0x1  }
0xa4: {  	s24 =	simm.s32 $0x1B8B  }
0xa5: {  	_ =	swait.ge [sflag:s24], $0x1  }
0xa6: {  	[sflag:s24] =	ssyncset.done $0x0  }
0xa7: {  	s25 =	simm.s32 $0x1B8E;
	[sflag:s24] =	ssyncadd.s32 $0xFFFFFFFF  }
0xa8: {  	s26 =	simm.s32 $execute0_lowered;
	[smem:$0x3FD2] =	sst s25  }
0xa9: {  	s7 =	sshll.u32 s26, $0x1;
	_ =	strace $0x80000046;
	[dreg:$0x1] =	wrdreg $0xFFFFFFFF  }
0xaa: {  	s28 =	simm.s32 $_size_execute0_lowered;
	s6 =	sadd.s32 s6, s7;
	[dreg:$0x0] =	wrdreg $0x0  }
0xab: {  	s7 =	sshll.u32 s28, $0x1;
	[dreg:$0x2] =	wrdreg s6  }
0xac: {  	[dreg:$0x3] =	wrdreg s7  }
0xad: {  	[dreg:$0x4] =	wrdreg $0xC0  }
0xae: {  	_ =	task [dreg:s10], $0x5FFFF  }
0xaf: {  	[dreg:$0x1] =	wrdreg $0xFFFFFFFF  }
0xb0: {  	[dreg:$0x0] =	wrdreg $0x60  }
0xb1: {  	[dreg:$0x2] =	wrdreg s2  }
0xb2: {  	[dreg:$0x3] =	wrdreg s19  }
0xb3: {  	[dreg:$0x4] =	wrdreg s4  }
0xb4: {  	[dreg:$0x5] =	wrdreg s5  }
0xb5: {  	[dreg:$0x6] =	wrdreg $0x4000  }
0xb6: {  	[dreg:$0x7] =	wrdreg $0x9  }
0xb7: {  	_ =	task.clear_ibuf [dreg:s10], $0x8FFFF;
	_ =	strace $0x90000046  }
0xb8: {  	s29 =	simm.s32 $0x9;
	_ =	strace $0x80000048  }
0xb9: {  	_ =	swait.ge [sflag:s29], $0x1  }
0xba: {  	[sflag:s29] =	ssyncadd.s32 $0xFFFFFFFF  }
0xbb: {  	_ =	strace $0x90000048  }
0xbc: {  	_ =	sfence  }
0xbd: {  	s30 =	sld [smem:$0x0];
	_ =	sdelay $0x2  }
0xbe: {  	s31 =	sshll.u32 s1, $0xD;
	s1 =	sshrl.u32 s1, $0x2  }
0xbf: {  	s3 =	sand.u32 $0x4000, s31;
	s1 =	sadd.s32 s1, s30  }
0xc0: {  	s0 =	sor.u32 s3, s0;
	s1 =	sshll.u32 s1, $0x11  }
0xc1: {  	s0 =	sor.u32 s1, s0  }
0xc2: {  	s0 =	sadd.s32 $0x8F2B, s0  }
0xc3: {  	[sflag:s0] =	ssyncadd.remote.s32 $0x1  }
0xc4: {  	_ =	sfence.sel $0xFFFF  }
0xc5: {  	[dreg:$0x0] =	wrdreg $0xFFFFFFFF;
	(pc) =	sbr.abs _section_cstart, $3  }
0xc6: {  	[dreg:$0x1] =	wrdreg $0xFFFFFFFF  }
0xc7: {  	_ =	task.clear_ibuf [dreg:s10], $0x2FFFF;
	_ =	strace $0x9FFFFFFF  }
0xc8: {  	(tm) =	ssettm $0x7FFFFFFF  }
0xc9: {  	_ =	shalt  }
tec
execute0_lowered:
.L_overlay_start_1:
0x0: {  	(tag) =	ssettag $0x1  }
0x1: {  	s4 =	rddreg [dreg:$0x0]  }
0x2: {  	s2 =	rddreg [dreg:$0x1]  }
0x3: {  	s5 =	rddreg [dreg:$0x2]  }
0x4: {  	s1 =	rddreg [dreg:$0x3]  }
0x5: {  	s3 =	srdreg.scid;
	s13 =	stileid.u32  }
0x6: {  	s0 =	rddreg [dreg:$0x4];
	s16 =	sand.u32 $0x1, s3;
	s6 =	sshll.u32 s13, $0x1  }
0x7: {  	s3 =	simm.s32 $0x0;
	s20 =	sshll.u32 s13, $0x8;
	s21 =	sshll.u32 s13, $0x9  }
0x8: {  	s23 =	sshll.u32 s13, $0x6;
	s7 =	sor.u32 s16, s6;
	[smem:$0x7FF] =	sst s3  }
0x9: {  	s6 =	sand.u32 $0xE00, s20;
	s22 =	sadd.s32 s5, s21;
	s24 =	sor.u32 $0x1C16, s23  }
0xa: {  	s8 =	sshll.u32 s7, $0x5;
	_ =	strace $0x80000047;
	s4 =	sadd.s32 s4, s6  }
0xb: {  	s9 =	sshll.u32 s7, $0x11;
	[dreg:$0x7] =	wrdreg s22;
	s25 =	sand.u32 $0x3, s7  }
0xc: {  	[dreg:$0x8] =	wrdreg s24;
	s26 =	sadd.s32 $0x1, s7;
	s28 =	sadd.s32 $0xFFFFFFFF, s7  }
0xd: {  	s8 =	sand.u32 $0x60, s8;
	s6 =	sshll.u32 s25, $0xE;
	s10 =	sand.u32 $0x3, s26  }
0xe: {  	s11 =	sxor.u32 $0x2, s25;
	s12 =	sand.u32 $0x3, s28;
	s14 =	sshll.u32 s25, $0x8  }
0xf: {  	s4 =	sadd.s32 s8, s4;
	s5 =	sshll.u32 s11, $0xE;
	s17 =	sshll.u32 s10, $0x8  }
0x10: {  	s21 =	sshll.u32 s11, $0x8;
	s11 =	sor.u32 $0x80, s14;
	[dreg:$0x6] =	wrdreg s4  }
0x11: {  	s7 =	sshll.u32 s10, $0xE;
	[dreg:$0xa] =	wrdreg s11;
	s18 =	sor.u32 $0x80, s17  }
0x12: {  	s22 =	sshll.u32 s12, $0x8;
	s23 =	sor.u32 $0x80, s21;
	[dreg:$0xc] =	wrdreg s18  }
0x13: {  	s29 =	sor.u32 s9, s6;
	s25 =	sor.u32 $0x80, s22;
	[dreg:$0xe] =	wrdreg s23  }
0x14: {  	s4 =	sshll.u32 s12, $0xE;
	s8 =	sshrl.u32 s29, $0x3;
	[dreg:$0x10] =	wrdreg s25  }
0x15: {  	s31 =	sor.u32 s9, s7;
	s8 =	sadd.s32 s1, s8;
	s23 =	rddreg [dreg:$0x7]  }
0x16: {  	s10 =	sshrl.u32 s31, $0x3;
	s18 =	simm.s32 $0x400;
	[dreg:$0x9] =	wrdreg s8  }
0x17: {  	s15 =	sor.u32 s9, s5;
	s12 =	sadd.s32 s1, s10;
	[dreg:$0x16] =	wrdreg s18  }
0x18: {  	s10 =	sshrl.u32 s15, $0x3;
	s15 =	simm.s32 $0x100;
	[dreg:$0xb] =	wrdreg s12  }
0x19: {  	s20 =	sor.u32 s9, s4;
	s9 =	sor.u32 $0x10000, s9;
	[dreg:$0x15] =	wrdreg s15  }
0x1a: {  	s19 =	sadd.s32 s1, s10;
	s10 =	sshrl.u32 s20, $0x3;
	s20 =	rddreg [dreg:$0x8]  }
0x1b: {  	s26 =	sor.u32 s6, s9;
	s25 =	rddreg [dreg:$0x16]  }
0x1c: {  	s13 =	sshll.u32 s13, $0xC;
	s28 =	sshrl.u32 s26, $0x3;
	s26 =	rddreg [dreg:$0x6]  }
0x1d: {  	s31 =	sor.u32 s9, s5;
	[dreg:$0xd] =	wrdreg s19;
	s24 =	sadd.s32 s1, s10  }
0x1e: {  	s11 =	sshrl.u32 s31, $0x3;
	s8 =	sadd.s32 s1, s28;
	[dreg:$0xf] =	wrdreg s24  }
0x1f: {  	s29 =	sor.u32 s9, s7;
	s12 =	sadd.s32 s1, s11;
	[dreg:$0x11] =	wrdreg s8  }
0x20: {  	s9 =	sor.u32 s9, s4;
	s10 =	sshrl.u32 s29, $0x3;
	[dreg:$0x13] =	wrdreg s12  }
0x21: {  	s9 =	sshrl.u32 s9, $0x3;
	s10 =	sadd.s32 s1, s10;
	s24 =	rddreg [dreg:$0x15]  }
0x22: {  	s1 =	sadd.s32 s1, s9;
	[dreg:$0x12] =	wrdreg s10;
	s10 =	sadd.s32 s13, s0  }
0x23: {  	[tilespmem:s3], [sflag:$0xE] =	stream.strided.gather [hbm4b:s26+s24], $0x400, s25, s24, $0x38;
	[tilespmem:$0x1D400] =	vst v63  }
0x24: {  	[dreg:$0x14] =	wrdreg s1;
	s19 =	sshrl.u32 s10, $0x3  }
0x25: {  	[dreg:$0x17] =	wrdreg s19  }
0x26: {  	s29 =	simm.s32 $0x16;
	s28 =	rddreg [dreg:$0x17]  }
0x27: {  	[spmem:s28], [sflag:s20] =	dma.local [hbm:s23], $0x200  }
0x28: {  	_ =	swait.ge [sflag:s29], $0x200  }
0x29: {  	[sflag:s29] =	ssyncset.done $0x0  }
0x2a: {  	[sflag:s29] =	ssyncadd.s32 $0xFFFFFE00  }
0x2b: {  	s9 =	sadd.s32 s6, s0;
	s10 =	simm.s32 $0x1400;
	[bflag:$0x0] =	sbarrier.arrive $0xFFFF  }
0x2c: {  	[tilespmem:s10], [sflag:$0x1] =	stream.linear.gather [spmem:s9], $0x4000, $0x38;
	[tilespmem:$0x1D400] =	vst v63  }
0x2d: {  	s31 =	simm.s32 $0x5400;
	s11 =	sadd.s32 s7, s0  }
0x2e: {  	[tilespmem:s31], [sflag:$0x2] =	stream.linear.gather [spmem:s11], $0x4000, $0x38;
	[tilespmem:$0x1D400] =	vst v63  }
0x2f: {  	s13 =	sadd.s32 s5, s0;
	s5 =	simm.s32 $0x9400  }
0x30: {  	[tilespmem:s5], [sflag:$0x3] =	stream.linear.gather [spmem:s13], $0x4000, $0x38;
	[tilespmem:$0x1D400] =	vst v63  }
0x31: {  	s15 =	sadd.s32 s4, s0;
	s6 =	simm.s32 $0xD400  }
0x32: {  	[tilespmem:s6], [sflag:$0x4] =	stream.linear.gather [spmem:s15], $0x4000, $0x38;
	[tilespmem:$0x1D400] =	vst v63  }
0x33: {  	s18 =	simm.s32 $0xE;
	s7 =	simm.s32 $0x11400  }
0x34: {  	[tilespmem:s7], [sflag:$0x5] =	stream.linear.gather [spmem:s9], $0x4000, $0x38;
	[tilespmem:$0x1D400] =	vst v63  }
0x35: {  	_ =	swait.ge [sflag:s18], $0x400  }
0x36: {  	[sflag:s18] =	ssyncset.done $0x0  }
0x37: {  	s19 =	simm.s32 $0x1;
	[sflag:s18] =	ssyncadd.s32 $0xFFFFFC00  }
0x38: {  	_ =	swait.ge [sflag:s19], $0x4000  }
0x39: {  	s12 =	simm.s32 $0x2;
	[sflag:s19] =	ssyncset.done $0x0  }
0x3a: {  	s20 =	simm.s32 $0x80;
	[dreg:$0x18] =	wrdreg s14;
	[sflag:s19] =	ssyncadd.s32 $0xFFFFC000  }
0x3b: {  	[tilespmem:s10], [sflag:$0x8] =	stream.indirect.gather.add.f32 [hbm:s2], $0x80, s14, s20, $0xb8;
	[tilespmem:$0x1D400] =	vst v63  }
0x3c: {  	_ =	swait.ge [sflag:s12], $0x4000  }
0x3d: {  	[sflag:s12] =	ssyncset.done $0x0  }
0x3e: {  	s14 =	simm.s32 $0x3;
	[dreg:$0x19] =	wrdreg s17;
	[sflag:s12] =	ssyncadd.s32 $0xFFFFC000  }
0x3f: {  	[tilespmem:s31], [sflag:$0x9] =	stream.indirect.gather.add.f32 [hbm:s2], $0x80, s17, s20, $0xb8;
	[tilespmem:$0x1D400] =	vst v63  }
0x40: {  	_ =	swait.ge [sflag:s14], $0x4000  }
0x41: {  	[sflag:s14] =	ssyncset.done $0x0  }
0x42: {  	[sflag:s14] =	ssyncadd.s32 $0xFFFFC000  }
0x43: {  	[tilespmem:s5], [sflag:$0xA] =	stream.indirect.gather.add.f32 [hbm:s2], $0x80, s21, s20, $0xb8;
	[tilespmem:$0x1D400] =	vst v63  }
0x44: {  	s8 =	simm.s32 $0x15400;
	[dreg:$0x1a] =	wrdreg s21;
	s21 =	simm.s32 $0x4  }
0x45: {  	[tilespmem:s8], [sflag:$0x6] =	stream.linear.gather [spmem:s11], $0x4000, $0x38;
	[tilespmem:$0x1D400] =	vst v63  }
0x46: {  	_ =	swait.ge [sflag:s21], $0x4000  }
0x47: {  	[sflag:s21] =	ssyncset.done $0x0  }
0x48: {  	s25 =	simm.s32 $0x8;
	[dreg:$0x1b] =	wrdreg s22;
	[sflag:s21] =	ssyncadd.s32 $0xFFFFC000  }
0x49: {  	[tilespmem:s6], [sflag:$0xB] =	stream.indirect.gather.add.f32 [hbm:s2], $0x80, s22, s20, $0xb8;
	[tilespmem:$0x1D400] =	vst v63  }
0x4a: {  	_ =	swait.ge [sflag:s25], $0x4000  }
0x4b: {  	[sflag:s25] =	ssyncset.done $0x0  }
0x4c: {  	s22 =	rddreg [dreg:$0x9];
	[sflag:s25] =	ssyncadd.s32 $0xFFFFC000  }
0x4d: {  	[hbm4b:s22+s3] =	stream.linear.scatter [tilespmem:s10], [sflag:$0xF], $0x4000, $0x38;
	[tilespmem:$0x1D400] =	vst v63  }
0x4e: {  	s23 =	simm.s32 $0x5;
	s12 =	simm.s32 $0x19400  }
0x4f: {  	[tilespmem:s12], [sflag:$0x7] =	stream.linear.gather [spmem:s13], $0x4000, $0x38;
	[tilespmem:$0x1D400] =	vst v63  }
0x50: {  	_ =	swait.ge [sflag:s23], $0x4000  }
0x51: {  	[sflag:s23] =	ssyncset.done $0x0  }
0x52: {  	s26 =	simm.s32 $0x9;
	s24 =	rddreg [dreg:$0xa];
	[sflag:s23] =	ssyncadd.s32 $0xFFFFC000  }
0x53: {  	[tilespmem:s7], [sflag:$0xC] =	stream.indirect.gather.add.f32 [hbm:s2], $0x80, s24, s20, $0xb8;
	[tilespmem:$0x1D400] =	vst v63  }
0x54: {  	_ =	swait.ge [sflag:s26], $0x4000  }
0x55: {  	[sflag:s26] =	ssyncset.done $0x0  }
0x56: {  	s30 =	simm.s32 $0xF;
	s28 =	rddreg [dreg:$0xb];
	[sflag:s26] =	ssyncadd.s32 $0xFFFFC000  }
0x57: {  	[hbm4b:s28+s3] =	stream.linear.scatter [tilespmem:s31], [sflag:$0x10], $0x4000, $0x38;
	[tilespmem:$0x1D400] =	vst v63  }
0x58: {  	_ =	swait.ge [sflag:s30], $0x4000  }
0x59: {  	[sflag:s30] =	ssyncset.done $0x0  }
0x5a: {  	s29 =	simm.s32 $0x6;
	[sflag:s30] =	ssyncadd.s32 $0xFFFFC000  }
0x5b: {  	[tilespmem:s10], [sflag:$0x1] =	stream.linear.gather [spmem:s15], $0x4000, $0x38;
	[tilespmem:$0x1D400] =	vst v63  }
0x5c: {  	_ =	swait.ge [sflag:s29], $0x4000  }
0x5d: {  	[sflag:s29] =	ssyncset.done $0x0  }
0x5e: {  	s4 =	simm.s32 $0xA;
	s31 =	rddreg [dreg:$0xc];
	[sflag:s29] =	ssyncadd.s32 $0xFFFFC000  }
0x5f: {  	[tilespmem:s8], [sflag:$0xD] =	stream.indirect.gather.add.f32 [hbm:s2], $0x80, s31, s20, $0xb8;
	[tilespmem:$0x1D400] =	vst v63  }
0x60: {  	_ =	swait.ge [sflag:s4], $0x4000  }
0x61: {  	[sflag:s4] =	ssyncset.done $0x0  }
0x62: {  	s1 =	simm.s32 $0x7;
	s14 =	rddreg [dreg:$0xd];
	[sflag:s4] =	ssyncadd.s32 $0xFFFFC000  }
0x63: {  	[hbm4b:s14+s3] =	stream.linear.scatter [tilespmem:s5], [sflag:$0x11], $0x4000, $0x38;
	[tilespmem:$0x1D400] =	vst v63  }
0x64: {  	_ =	swait.ge [sflag:s1], $0x4000  }
0x65: {  	[sflag:s1] =	ssyncset.done $0x0  }
0x66: {  	s4 =	simm.s32 $0xB;
	s17 =	rddreg [dreg:$0xe];
	[sflag:s1] =	ssyncadd.s32 $0xFFFFC000  }
0x67: {  	[tilespmem:s12], [sflag:$0xE] =	stream.indirect.gather.add.f32 [hbm:s2], $0x80, s17, s20, $0xb8;
	[tilespmem:$0x1D400] =	vst v63  }
0x68: {  	_ =	swait.ge [sflag:s4], $0x4000  }
0x69: {  	[sflag:s4] =	ssyncset.done $0x0  }
0x6a: {  	s21 =	rddreg [dreg:$0xf];
	[sflag:s4] =	ssyncadd.s32 $0xFFFFC000  }
0x6b: {  	[hbm4b:s21+s3] =	stream.linear.scatter [tilespmem:s6], [sflag:$0x12], $0x4000, $0x38;
	[tilespmem:$0x1D400] =	vst v63  }
0x6c: {  	_ =	swait.ge [sflag:s19], $0x4000  }
0x6d: {  	[sflag:s19] =	ssyncset.done $0x0  }
0x6e: {  	s5 =	simm.s32 $0xC;
	s22 =	rddreg [dreg:$0x10];
	[sflag:s19] =	ssyncadd.s32 $0xFFFFC000  }
0x6f: {  	[tilespmem:s10], [sflag:$0x8] =	stream.indirect.gather.add.f32 [hbm:s2], $0x80, s22, s20, $0xb8;
	[tilespmem:$0x1D400] =	vst v63  }
0x70: {  	_ =	swait.ge [sflag:s5], $0x4000  }
0x71: {  	[sflag:s5] =	ssyncset.done $0x0  }
0x72: {  	s6 =	simm.s32 $0xD;
	s23 =	rddreg [dreg:$0x11];
	[sflag:s5] =	ssyncadd.s32 $0xFFFFC000  }
0x73: {  	[hbm4b:s23+s3] =	stream.linear.scatter [tilespmem:s7], [sflag:$0x13], $0x4000, $0x38;
	[tilespmem:$0x1D400] =	vst v63  }
0x74: {  	_ =	swait.ge [sflag:s6], $0x4000  }
0x75: {  	[sflag:s6] =	ssyncset.done $0x0  }
0x76: {  	s24 =	rddreg [dreg:$0x12];
	[sflag:s6] =	ssyncadd.s32 $0xFFFFC000  }
0x77: {  	[hbm4b:s24+s3] =	stream.linear.scatter [tilespmem:s8], [sflag:$0x14], $0x4000, $0x38;
	[tilespmem:$0x1D400] =	vst v63  }
0x78: {  	_ =	swait.ge [sflag:s18], $0x4000  }
0x79: {  	[sflag:s18] =	ssyncset.done $0x0  }
0x7a: {  	s26 =	rddreg [dreg:$0x13];
	[sflag:s18] =	ssyncadd.s32 $0xFFFFC000  }
0x7b: {  	[hbm4b:s26+s3] =	stream.linear.scatter [tilespmem:s12], [sflag:$0x15], $0x4000, $0x38;
	[tilespmem:$0x1D400] =	vst v63  }
0x7c: {  	_ =	swait.ge [sflag:s25], $0x4000  }
0x7d: {  	[sflag:s25] =	ssyncset.done $0x0  }
0x7e: {  	s28 =	rddreg [dreg:$0x14];
	[sflag:s25] =	ssyncadd.s32 $0xFFFFC000  }
0x7f: {  	[hbm4b:s28+s3] =	stream.linear.scatter [tilespmem:s10], [sflag:$0xF], $0x4000, $0x38;
	[tilespmem:$0x1D400] =	vst v63  }
0x80: {  	_ =	swait.ge [sflag:s30], $0x4000  }
0x81: {  	[sflag:s30] =	ssyncset.done $0x0  }
0x82: {  	s7 =	simm.s32 $0x10;
	[sflag:s30] =	ssyncadd.s32 $0xFFFFC000  }
0x83: {  	_ =	swait.ge [sflag:s7], $0x4000  }
0x84: {  	[sflag:s7] =	ssyncset.done $0x0  }
0x85: {  	s8 =	simm.s32 $0x11;
	[sflag:s7] =	ssyncadd.s32 $0xFFFFC000  }
0x86: {  	_ =	swait.ge [sflag:s8], $0x4000  }
0x87: {  	[sflag:s8] =	ssyncset.done $0x0  }
0x88: {  	s12 =	simm.s32 $0x12;
	[sflag:s8] =	ssyncadd.s32 $0xFFFFC000  }
0x89: {  	s29 =	ssub.s32 $0x2, s16;
	_ =	swait.ge [sflag:s12], $0x4000  }
0x8a: {  	s31 =	sshrl.u32 s29, $0x1;
	[sflag:s12] =	ssyncset.done $0x0  }
0x8b: {  	s14 =	simm.s32 $0x13;
	s17 =	ssub.s32 s29, s31;
	[sflag:s12] =	ssyncadd.s32 $0xFFFFC000  }
0x8c: {  	s21 =	smax.u32 s17, $0x1;
	_ =	swait.ge [sflag:s14], $0x4000  }
0x8d: {  	p0 =	sne.s32 s21, $0x1;
	[sflag:s14] =	ssyncset.done $0x0  }
.Ltmp0:
0x8e: {  	s16 =	simm.s32 $0x14;
	[sflag:s14] =	ssyncadd.s32 $0xFFFFC000;
	(pc) =	sbr.rel @!p0 .LBB2_3-.Ltmp0, $4  }
0x8f: {  	_ =	swait.ge [sflag:s16], $0x4000  }
0x90: {  	[sflag:s16] =	ssyncset.done $0x0  }
0x91: {  	s17 =	simm.s32 $0x15;
	[sflag:s16] =	ssyncadd.s32 $0xFFFFC000  }
0x92: {  	s21 =	sadd.s32 $0xFFFFFFFF, s21;
	_ =	swait.ge [sflag:s17], $0x4000  }
0x93: {  	s31 =	simm.s32 $0x19400  }
.LBB2_2:
0x94: {  	s22 =	rddreg [dreg:$0x8]  }
0x95: {  	s23 =	rddreg [dreg:$0x7]  }
0x96: {  	s24 =	rddreg [dreg:$0x15]  }
0x97: {  	[sflag:s17] =	ssyncset.done $0x0;
	s26 =	rddreg [dreg:$0x16]  }
0x98: {  	s28 =	rddreg [dreg:$0x6];
	[sflag:s17] =	ssyncadd.s32 $0xFFFFC000  }
0x99: {  	[tilespmem:s3], [sflag:$0xE] =	stream.strided.gather [hbm4b:s28+s24], $0x400, s26, s24, $0x38;
	[tilespmem:$0x1D400] =	vst v63  }
0x9a: {  	s29 =	rddreg [dreg:$0x17];
	s28 =	simm.s32 $0x16  }
0x9b: {  	[spmem:s29], [sflag:s22] =	dma.local [hbm:s23], $0x200  }
0x9c: {  	_ =	swait.ge [sflag:s28], $0x200  }
0x9d: {  	[sflag:s28] =	ssyncset.done $0x0  }
0x9e: {  	[sflag:s28] =	ssyncadd.s32 $0xFFFFFE00  }
0x9f: {  	[bflag:$0x0] =	sbarrier.arrive $0xFFFF  }
0xa0: {  	[tilespmem:s10], [sflag:$0x1] =	stream.linear.gather [spmem:s9], $0x4000, $0x38;
	[tilespmem:$0x1D400] =	vst v63  }
0xa1: {  	s23 =	simm.s32 $0x5400  }
0xa2: {  	[tilespmem:s23], [sflag:$0x2] =	stream.linear.gather [spmem:s11], $0x4000, $0x38;
	[tilespmem:$0x1D400] =	vst v63  }
0xa3: {  	s24 =	simm.s32 $0x9400  }
0xa4: {  	[tilespmem:s24], [sflag:$0x3] =	stream.linear.gather [spmem:s13], $0x4000, $0x38;
	[tilespmem:$0x1D400] =	vst v63  }
0xa5: {  	s26 =	simm.s32 $0xD400  }
0xa6: {  	[tilespmem:s26], [sflag:$0x4] =	stream.linear.gather [spmem:s15], $0x4000, $0x38;
	[tilespmem:$0x1D400] =	vst v63  }
0xa7: {  	s28 =	simm.s32 $0x11400  }
0xa8: {  	[tilespmem:s28], [sflag:$0x5] =	stream.linear.gather [spmem:s9], $0x4000, $0x38;
	[tilespmem:$0x1D400] =	vst v63  }
0xa9: {  	_ =	swait.ge [sflag:s18], $0x400  }
0xaa: {  	[sflag:s18] =	ssyncset.done $0x0  }
0xab: {  	[sflag:s18] =	ssyncadd.s32 $0xFFFFFC00  }
0xac: {  	_ =	swait.ge [sflag:s19], $0x4000  }
0xad: {  	[sflag:s19] =	ssyncset.done $0x0  }
0xae: {  	s0 =	simm.s32 $0x2;
	s29 =	rddreg [dreg:$0x18];
	[sflag:s19] =	ssyncadd.s32 $0xFFFFC000  }
0xaf: {  	[tilespmem:s10], [sflag:$0x8] =	stream.indirect.gather.add.f32 [hbm:s2], $0x80, s29, s20, $0xb8;
	[tilespmem:$0x1D400] =	vst v63  }
0xb0: {  	_ =	swait.ge [sflag:s0], $0x4000  }
0xb1: {  	[sflag:s0] =	ssyncset.done $0x0  }
0xb2: {  	s29 =	rddreg [dreg:$0x19];
	[sflag:s0] =	ssyncadd.s32 $0xFFFFC000;
	s0 =	simm.s32 $0x3  }
0xb3: {  	[tilespmem:s23], [sflag:$0x9] =	stream.indirect.gather.add.f32 [hbm:s2], $0x80, s29, s20, $0xb8;
	[tilespmem:$0x1D400] =	vst v63  }
0xb4: {  	_ =	swait.ge [sflag:s0], $0x4000  }
0xb5: {  	[sflag:s0] =	ssyncset.done $0x0  }
0xb6: {  	s29 =	rddreg [dreg:$0x1a];
	[sflag:s0] =	ssyncadd.s32 $0xFFFFC000  }
0xb7: {  	[tilespmem:s24], [sflag:$0xA] =	stream.indirect.gather.add.f32 [hbm:s2], $0x80, s29, s20, $0xb8;
	[tilespmem:$0x1D400] =	vst v63  }
0xb8: {  	s0 =	simm.s32 $0x4;
	s29 =	simm.s32 $0x15400  }
0xb9: {  	[tilespmem:s29], [sflag:$0x6] =	stream.linear.gather [spmem:s11], $0x4000, $0x38;
	[tilespmem:$0x1D400] =	vst v63  }
0xba: {  	_ =	swait.ge [sflag:s0], $0x4000  }
0xbb: {  	[sflag:s0] =	ssyncset.done $0x0  }
0xbc: {  	[sflag:s0] =	ssyncadd.s32 $0xFFFFC000;
	s0 =	rddreg [dreg:$0x1b]  }
0xbd: {  	[tilespmem:s26], [sflag:$0xB] =	stream.indirect.gather.add.f32 [hbm:s2], $0x80, s0, s20, $0xb8;
	[tilespmem:$0x1D400] =	vst v63  }
0xbe: {  	_ =	swait.ge [sflag:s25], $0x4000  }
0xbf: {  	[sflag:s25] =	ssyncset.done $0x0  }
0xc0: {  	s0 =	rddreg [dreg:$0x9];
	[sflag:s25] =	ssyncadd.s32 $0xFFFFC000  }
0xc1: {  	[hbm4b:s0+s3] =	stream.linear.scatter [tilespmem:s10], [sflag:$0xF], $0x4000, $0x38;
	[tilespmem:$0x1D400] =	vst v63  }
0xc2: {  	s0 =	simm.s32 $0x5  }
0xc3: {  	[tilespmem:s31], [sflag:$0x7] =	stream.linear.gather [spmem:s13], $0x4000, $0x38;
	[tilespmem:$0x1D400] =	vst v63  }
0xc4: {  	_ =	swait.ge [sflag:s0], $0x4000  }
0xc5: {  	[sflag:s0] =	ssyncset.done $0x0  }
0xc6: {  	s22 =	rddreg [dreg:$0xa];
	[sflag:s0] =	ssyncadd.s32 $0xFFFFC000;
	s0 =	simm.s32 $0x9  }
0xc7: {  	[tilespmem:s28], [sflag:$0xC] =	stream.indirect.gather.add.f32 [hbm:s2], $0x80, s22, s20, $0xb8;
	[tilespmem:$0x1D400] =	vst v63  }
0xc8: {  	_ =	swait.ge [sflag:s0], $0x4000  }
0xc9: {  	[sflag:s0] =	ssyncset.done $0x0  }
0xca: {  	s22 =	rddreg [dreg:$0xb];
	[sflag:s0] =	ssyncadd.s32 $0xFFFFC000  }
0xcb: {  	[hbm4b:s22+s3] =	stream.linear.scatter [tilespmem:s23], [sflag:$0x10], $0x4000, $0x38;
	[tilespmem:$0x1D400] =	vst v63  }
0xcc: {  	_ =	swait.ge [sflag:s30], $0x4000  }
0xcd: {  	[sflag:s30] =	ssyncset.done $0x0  }
0xce: {  	s22 =	simm.s32 $0x6;
	[sflag:s30] =	ssyncadd.s32 $0xFFFFC000  }
0xcf: {  	[tilespmem:s10], [sflag:$0x1] =	stream.linear.gather [spmem:s15], $0x4000, $0x38;
	[tilespmem:$0x1D400] =	vst v63  }
0xd0: {  	_ =	swait.ge [sflag:s22], $0x4000  }
0xd1: {  	[sflag:s22] =	ssyncset.done $0x0  }
0xd2: {  	s23 =	rddreg [dreg:$0xc];
	[sflag:s22] =	ssyncadd.s32 $0xFFFFC000;
	s22 =	simm.s32 $0xA  }
0xd3: {  	[tilespmem:s29], [sflag:$0xD] =	stream.indirect.gather.add.f32 [hbm:s2], $0x80, s23, s20, $0xb8;
	[tilespmem:$0x1D400] =	vst v63  }
0xd4: {  	_ =	swait.ge [sflag:s22], $0x4000  }
0xd5: {  	[sflag:s22] =	ssyncset.done $0x0  }
0xd6: {  	s23 =	rddreg [dreg:$0xd];
	[sflag:s22] =	ssyncadd.s32 $0xFFFFC000  }
0xd7: {  	[hbm4b:s23+s3] =	stream.linear.scatter [tilespmem:s24], [sflag:$0x11], $0x4000, $0x38;
	[tilespmem:$0x1D400] =	vst v63  }
0xd8: {  	_ =	swait.ge [sflag:s1], $0x4000  }
0xd9: {  	[sflag:s1] =	ssyncset.done $0x0  }
0xda: {  	s24 =	rddreg [dreg:$0xe];
	[sflag:s1] =	ssyncadd.s32 $0xFFFFC000  }
0xdb: {  	[tilespmem:s31], [sflag:$0xE] =	stream.indirect.gather.add.f32 [hbm:s2], $0x80, s24, s20, $0xb8;
	[tilespmem:$0x1D400] =	vst v63  }
0xdc: {  	_ =	swait.ge [sflag:s4], $0x4000  }
0xdd: {  	[sflag:s4] =	ssyncset.done $0x0  }
0xde: {  	s0 =	rddreg [dreg:$0xf];
	[sflag:s4] =	ssyncadd.s32 $0xFFFFC000  }
0xdf: {  	[hbm4b:s0+s3] =	stream.linear.scatter [tilespmem:s26], [sflag:$0x12], $0x4000, $0x38;
	[tilespmem:$0x1D400] =	vst v63  }
0xe0: {  	_ =	swait.ge [sflag:s19], $0x4000  }
0xe1: {  	[sflag:s19] =	ssyncset.done $0x0  }
0xe2: {  	s23 =	rddreg [dreg:$0x10];
	[sflag:s19] =	ssyncadd.s32 $0xFFFFC000  }
0xe3: {  	[tilespmem:s10], [sflag:$0x8] =	stream.indirect.gather.add.f32 [hbm:s2], $0x80, s23, s20, $0xb8;
	[tilespmem:$0x1D400] =	vst v63  }
0xe4: {  	_ =	swait.ge [sflag:s5], $0x4000  }
0xe5: {  	[sflag:s5] =	ssyncset.done $0x0  }
0xe6: {  	s24 =	rddreg [dreg:$0x11];
	[sflag:s5] =	ssyncadd.s32 $0xFFFFC000  }
0xe7: {  	[hbm4b:s24+s3] =	stream.linear.scatter [tilespmem:s28], [sflag:$0x13], $0x4000, $0x38;
	[tilespmem:$0x1D400] =	vst v63  }
0xe8: {  	_ =	swait.ge [sflag:s6], $0x4000  }
0xe9: {  	[sflag:s6] =	ssyncset.done $0x0  }
0xea: {  	s26 =	rddreg [dreg:$0x12];
	[sflag:s6] =	ssyncadd.s32 $0xFFFFC000  }
0xeb: {  	[hbm4b:s26+s3] =	stream.linear.scatter [tilespmem:s29], [sflag:$0x14], $0x4000, $0x38;
	[tilespmem:$0x1D400] =	vst v63  }
0xec: {  	_ =	swait.ge [sflag:s18], $0x4000  }
0xed: {  	[sflag:s18] =	ssyncset.done $0x0  }
0xee: {  	s28 =	rddreg [dreg:$0x13];
	[sflag:s18] =	ssyncadd.s32 $0xFFFFC000  }
0xef: {  	[hbm4b:s28+s3] =	stream.linear.scatter [tilespmem:s31], [sflag:$0x15], $0x4000, $0x38;
	[tilespmem:$0x1D400] =	vst v63  }
0xf0: {  	_ =	swait.ge [sflag:s25], $0x4000  }
0xf1: {  	[sflag:s25] =	ssyncset.done $0x0  }
0xf2: {  	s29 =	rddreg [dreg:$0x14];
	[sflag:s25] =	ssyncadd.s32 $0xFFFFC000  }
0xf3: {  	[hbm4b:s29+s3] =	stream.linear.scatter [tilespmem:s10], [sflag:$0xF], $0x4000, $0x38;
	[tilespmem:$0x1D400] =	vst v63  }
0xf4: {  	_ =	swait.ge [sflag:s30], $0x4000  }
0xf5: {  	[sflag:s30] =	ssyncset.done $0x0  }
0xf6: {  	[sflag:s30] =	ssyncadd.s32 $0xFFFFC000  }
0xf7: {  	_ =	swait.ge [sflag:s7], $0x4000  }
0xf8: {  	[sflag:s7] =	ssyncset.done $0x0  }
0xf9: {  	[sflag:s7] =	ssyncadd.s32 $0xFFFFC000  }
0xfa: {  	_ =	swait.ge [sflag:s8], $0x4000  }
0xfb: {  	[sflag:s8] =	ssyncset.done $0x0  }
0xfc: {  	[sflag:s8] =	ssyncadd.s32 $0xFFFFC000  }
0xfd: {  	_ =	swait.ge [sflag:s12], $0x4000  }
0xfe: {  	[sflag:s12] =	ssyncset.done $0x0  }
0xff: {  	[sflag:s12] =	ssyncadd.s32 $0xFFFFC000  }
0x100: {  	_ =	swait.ge [sflag:s14], $0x4000  }
0x101: {  	p0 =	sne.s32 s21, $0x1;
	[sflag:s14] =	ssyncset.done $0x0  }
.Ltmp1:
0x102: {  	[sflag:s14] =	ssyncadd.s32 $0xFFFFC000;
	(pc) =	sbr.rel @p0 .LBB2_2-.Ltmp1, $4  }
0x103: {  	_ =	swait.ge [sflag:s16], $0x4000  }
0x104: {  	[sflag:s16] =	ssyncset.done $0x0  }
0x105: {  	[sflag:s16] =	ssyncadd.s32 $0xFFFFC000  }
0x106: {  	s21 =	sadd.s32 $0xFFFFFFFF, s21;
	_ =	swait.ge [sflag:s17], $0x4000  }
.LBB2_3:
0x107: {  	[sflag:s17] =	ssyncset.done $0x0  }
0x108: {  	[sflag:s17] =	ssyncadd.s32 $0xFFFFC000  }
0x109: {  	_ =	sfence.sel $0x180000  }
0x10a: {  	[bflag:$0x0] =	sbarrier.arrive $0xFFFF  }
0x10b: {  	_ =	strace $0x90000047  }
0x10c: {  	s0 =	stileid.u32;
	[bflag:$0x2] =	sbarrier.arrive $0xFFFF  }
0x10d: {  	p0 =	sne.s32 s0, $0x0;
	s0 =	rddreg [dreg:$0x5]  }
0x10e: {  	s0 =	sadd.s32 @!p0 $0x100000, s0  }
0x10f: {  	[sflag:s0] =	ssyncadd.tile.s32 @!p0 $0x1;
	_ =	shalt  }
.Lfunc_end2:
_tile_overlayer_lowered:
.L_overlay_start_2:
0x110: {  	(tag) =	ssettag $0x2  }
0x111: {  	s0 =	rddreg [dreg:$0x0];
	s2 =	stileid.u32  }
0x112: {  	s1 =	rddreg [dreg:$0x1];
	p0 =	sne.s32 s2, $0x0  }
0x113: {  	s3 =	rddreg [dreg:$0x2];
	[bflag:$0x3] =	sbarrier.arrive $0xFFFF;
	s2 =	simm.s32 @!p0 $0x1C16  }
0x114: {  	[timem:s3], [sflag:s2] =	dma.local @!p0 [hbm:s0], s1  }
0x115: {  	s0 =	simm.s32 @!p0 $0x16  }
0x116: {  	_ =	swait.ge @!p0 [sflag:s0], s1  }
0x117: {  	s1 =	ssub.s32 @!p0 $0x0, s1;
	[sflag:s0] =	ssyncset.done @!p0 $0x0  }
0x118: {  	[sflag:s0] =	ssyncadd.s32 @!p0 s1  }
0x119: {  	[bflag:$0x3] =	sbarrier.arrive $0xFFFF  }
0x11a: {  	_ =	shalt  }

</sc_bundles>
